<compile_context>
chip_gen: v7x
topology: tpu7x:2x2x1
jax: 0.10.2.dev20260603
libtpu: 0.0.44.dev20260713+nightly
codegen_flags: <defaults>
</compile_context>

<pallas_src>
import functools

import jax
import jax.numpy as jnp
from jax import lax
from jax.experimental import pallas as pl
from jax.experimental.pallas import tpu as pltpu
from jax.experimental.pallas import tpu_sc as plsc

_D = 64
_DP = 128
_NC = 2
_NS = 16
_NW = _NC * _NS
_CH = 128
_NBUF = 4
_LA = 2


@functools.lru_cache(maxsize=None)
def _make_gather(B):
    assert B % _NW == 0
    bpw = B // _NW
    assert bpw % (_CH * _NBUF) == 0
    nch = bpw // _CH
    ngrp = nch // _NBUF

    mesh = plsc.VectorSubcoreMesh(core_axis_name="c", subcore_axis_name="s")

    @functools.partial(
        pl.kernel,
        out_type=jax.ShapeDtypeStruct((B, _DP), jnp.float32),
        mesh=mesh,
        scratch_types=[
            pltpu.VMEM((bpw,), jnp.int32),
            pltpu.VMEM((_NBUF, _CH, _DP), jnp.float32),
            [pltpu.SemaphoreType.DMA] * _NBUF,
            [pltpu.SemaphoreType.DMA] * _NBUF,
        ],
    )
    def kern(idx_hbm, table_hbm, out_hbm, idx_v, rows_v, gsems, osems):
        wid = lax.axis_index("s") * _NC + lax.axis_index("c")
        base = wid * bpw
        pltpu.sync_copy(idx_hbm.at[pl.ds(base, bpw)], idx_v)

        def start_gather(b, c):
            pltpu.make_async_copy(
                table_hbm.at[idx_v.at[pl.ds(c * _CH, _CH)]],
                rows_v.at[b], gsems[b],
            ).start()

        def wait_gather(b):
            pltpu.make_async_copy(
                table_hbm.at[idx_v.at[pl.ds(0, _CH)]],
                rows_v.at[b], gsems[b],
            ).wait()

        def start_out(b, c):
            pltpu.make_async_copy(
                rows_v.at[b],
                out_hbm.at[pl.ds(base + c * _CH, _CH)], osems[b],
            ).start()

        def wait_out(b, c):
            pltpu.make_async_copy(
                rows_v.at[b],
                out_hbm.at[pl.ds(base + c * _CH, _CH)], osems[b],
            ).wait()

        for b in range(_LA):
            start_gather(b, b)

        def group(g, carry):
            for b in range(_NBUF):
                c = g * _NBUF + b
                bg = (b + _LA) % _NBUF

                @pl.when(c + _LA < nch)
                def _():
                    @pl.when(c + _LA >= _NBUF)
                    def _():
                        wait_out(bg, c + _LA - _NBUF)
                    start_gather(bg, c + _LA)

                wait_gather(b)
                start_out(b, c)
            return carry

        lax.fori_loop(0, ngrp, group, 0)

        for b in range(_NBUF):
            wait_out(b, nch - _NBUF + b)

    return kern


def kernel(input, weight):
    b0, b1 = input.shape
    table = jnp.concatenate(
        [weight, jnp.zeros((weight.shape[0], _DP - _D), weight.dtype)], axis=1)
    idx = input.T.reshape(-1).astype(jnp.int32)
    out = _make_gather(idx.shape[0])(idx, table)
    return out.reshape(b1, b0, _DP)[:, :, :_D].transpose(1, 0, 2)

# --- scband reference (transcript-rebuilt; emitter-appended) ---
"""Pipeline reference for scband-vocab-parallel-embedding-84756884619882 (READ-ONLY COPY).

The authoritative reference and input builder live on the scoring server;
editing this copy changes nothing except your own understanding.
"""

import jax, jax.numpy as jnp
import numpy as np

NUM_EMBEDDINGS = 1000000
EMBEDDING_DIM = 64
# single-rank simulation of tensor parallelism
WORLD_SIZE = 1
RANK = 0

def _vocab_range(global_vocab_size, rank, world_size):
    per_partition = global_vocab_size // world_size
    start = rank * per_partition
    end = start + per_partition
    return start, end

def setup_inputs(seed: int = 0) -> dict:
    key = jax.random.key(seed)
    k_idx, k_w = jax.random.split(key)
    input = jax.random.randint(k_idx, (16384, 50), 0, NUM_EMBEDDINGS, dtype=jnp.int64 if jax.config.jax_enable_x64 else jnp.int32)
    start, end = _vocab_range(NUM_EMBEDDINGS, RANK, WORLD_SIZE)
    local_vocab = end - start
    weight = jax.random.normal(k_w, (local_vocab, EMBEDDING_DIM), dtype=jnp.float32) / np.sqrt(EMBEDDING_DIM)
    return {"input": input, "weight": weight}

def reference(input, weight):
    start, end = _vocab_range(NUM_EMBEDDINGS, RANK, WORLD_SIZE)
    # mask tokens outside this rank's vocab range
    valid = (input >= start) & (input < end)
    masked_input = jnp.where(valid, input - start, 0)
    # sharded embedding lookup (gather)
    out = jnp.take(weight, masked_input, axis=0)
    # zero out contributions from out-of-range tokens
    out = out * valid[..., None].astype(out.dtype)
    # all-reduce across TP ranks is a no-op with world_size == 1
    return out

if __name__ == "__main__":
    import jax
    _d = setup_inputs()
    print(jax.jit(kernel)(*tuple(_d.values())))

</pallas_src>

<mosaic_0001>
#map = affine_map<(d0, d1) -> (0)>
#map1 = affine_map<(d0, d1) -> (0, 0)>
module attributes {stable_mosaic.version = 14 : i64} {
  func.func @kern(%arg0: i32, %arg1: i32, %arg2: memref<819200xi32, #tpu.memory_space<hbm>>, %arg3: memref<1000000x128xf32, #tpu.memory_space<hbm>>, %arg4: memref<819200x128xf32, #tpu.memory_space<hbm>>, %arg5: memref<25600xi32, #tpu.memory_space<vmem>>, %arg6: memref<4x128x128xf32, #tpu.memory_space<vmem>>, %arg7: memref<!tpu.dma_semaphore, #tpu.memory_space<semaphore_mem>>, %arg8: memref<!tpu.dma_semaphore, #tpu.memory_space<semaphore_mem>>, %arg9: memref<!tpu.dma_semaphore, #tpu.memory_space<semaphore_mem>>, %arg10: memref<!tpu.dma_semaphore, #tpu.memory_space<semaphore_mem>>, %arg11: memref<!tpu.dma_semaphore, #tpu.memory_space<semaphore_mem>>, %arg12: memref<!tpu.dma_semaphore, #tpu.memory_space<semaphore_mem>>, %arg13: memref<!tpu.dma_semaphore, #tpu.memory_space<semaphore_mem>>, %arg14: memref<!tpu.dma_semaphore, #tpu.memory_space<semaphore_mem>>) attributes {dimension_semantics = [#tpu.dimension_semantics<core_parallel>, #tpu.dimension_semantics<subcore_parallel>], iteration_bounds = array<i64: 2, 16>, scalar_prefetch = 0 : i64, scratch_operands = 10 : i64, tpu.core_type = #tpu.core_type<sc_vector_subcore>, window_params = [{transform_indices = #map}, {transform_indices = #map1}, {transform_indices = #map1}]} {
    %mul3A = arith.constant 2 : i32
    %mul3A_0 = arith.muli %arg1, %mul3A : i32
    %add3A = arith.addi %mul3A_0, %arg0 : i32
    %mul3A_1 = arith.constant 25600 : i32
    %mul3A_2 = arith.muli %add3A, %mul3A_1 : i32
    "tpu.region"() ({
      %run_scoped3A = tpu.sem_alloc : memref<!tpu.dma_semaphore, #tpu.memory_space<semaphore_mem>>
      %dma_start3A_86 = tpu.memref_slice %arg2[%mul3A_2] : memref<819200xi32, #tpu.memory_space<hbm>> -> memref<25600xi32, #tpu.memory_space<hbm>>
      %dma_start3A_87 = tpu.memref_slice %arg2[%mul3A_2] : memref<819200xi32, #tpu.memory_space<hbm>> -> memref<25600xi32, #tpu.memory_space<hbm>>
      tpu.enqueue_dma source(%dma_start3A_87 : memref<25600xi32, #tpu.memory_space<hbm>>) target(%arg5 : memref<25600xi32, #tpu.memory_space<vmem>>) target_semaphore(%run_scoped3A : memref<!tpu.dma_semaphore, #tpu.memory_space<semaphore_mem>>)
      %dma_wait3A_88 = tpu.memref_slice %arg2[%mul3A_2] : memref<819200xi32, #tpu.memory_space<hbm>> -> memref<25600xi32, #tpu.memory_space<hbm>>
      %dma_wait3A_89 = tpu.memref_slice %arg2[%mul3A_2] : memref<819200xi32, #tpu.memory_space<hbm>> -> memref<25600xi32, #tpu.memory_space<hbm>>
      tpu.wait_dma2 semaphore(%run_scoped3A : memref<!tpu.dma_semaphore, #tpu.memory_space<semaphore_mem>>) src(%dma_wait3A_89 : memref<25600xi32, #tpu.memory_space<hbm>>) dst(%arg5 : memref<25600xi32, #tpu.memory_space<vmem>>)
      tpu.yield
    }) : () -> ()
    %dma_start3A = arith.constant 0 : i32
    %dma_start3A_3 = arith.constant 0 : i32
    %dma_start3A_4 = arith.constant 0 : i32
    %dma_start3A_5 = tpu.memref_slice %arg6[%dma_start3A, %dma_start3A_3, %dma_start3A_4] : memref<4x128x128xf32, #tpu.memory_space<vmem>> -> memref<1x128x128xf32, #tpu.memory_space<vmem>>
    %dma_start3A_6 = tpu.memref_squeeze %dma_start3A_5 : memref<1x128x128xf32, #tpu.memory_space<vmem>> -> memref<128x128xf32, #tpu.memory_space<vmem>>
    %dma_start3A_7 = arith.constant 0 : i32
    %dma_start3A_8 = tpu.memref_slice %arg5[%dma_start3A_7] : memref<25600xi32, #tpu.memory_space<vmem>> -> memref<128xi32, #tpu.memory_space<vmem>>
    %dma_start3A_9 = arith.constant 0 : i32
    %dma_start3A_10 = arith.constant 0 : i32
    %dma_start3A_11 = tpu.memref_slice %arg3[%dma_start3A_9, %dma_start3A_10] : memref<1000000x128xf32, #tpu.memory_space<hbm>> -> memref<1000000x128xf32, #tpu.memory_space<hbm>>
    tpu.enqueue_indirect_dma source(%dma_start3A_11 : memref<1000000x128xf32, #tpu.memory_space<hbm>>) target(%dma_start3A_6 : memref<128x128xf32, #tpu.memory_space<vmem>>) offsets(%dma_start3A_8 : memref<128xi32, #tpu.memory_space<vmem>>) semaphore(%arg7 : memref<!tpu.dma_semaphore, #tpu.memory_space<semaphore_mem>>)
    %dma_start3A_12 = arith.constant 1 : i32
    %dma_start3A_13 = arith.constant 0 : i32
    %dma_start3A_14 = arith.constant 0 : i32
    %dma_start3A_15 = tpu.memref_slice %arg6[%dma_start3A_12, %dma_start3A_13, %dma_start3A_14] : memref<4x128x128xf32, #tpu.memory_space<vmem>> -> memref<1x128x128xf32, #tpu.memory_space<vmem>>
    %dma_start3A_16 = tpu.memref_squeeze %dma_start3A_15 : memref<1x128x128xf32, #tpu.memory_space<vmem>> -> memref<128x128xf32, #tpu.memory_space<vmem>>
    %dma_start3A_17 = arith.constant 128 : i32
    %dma_start3A_18 = tpu.memref_slice %arg5[%dma_start3A_17] : memref<25600xi32, #tpu.memory_space<vmem>> -> memref<128xi32, #tpu.memory_space<vmem>>
    %dma_start3A_19 = arith.constant 0 : i32
    %dma_start3A_20 = arith.constant 0 : i32
    %dma_start3A_21 = tpu.memref_slice %arg3[%dma_start3A_19, %dma_start3A_20] : memref<1000000x128xf32, #tpu.memory_space<hbm>> -> memref<1000000x128xf32, #tpu.memory_space<hbm>>
    tpu.enqueue_indirect_dma source(%dma_start3A_21 : memref<1000000x128xf32, #tpu.memory_space<hbm>>) target(%dma_start3A_16 : memref<128x128xf32, #tpu.memory_space<vmem>>) offsets(%dma_start3A_18 : memref<128xi32, #tpu.memory_space<vmem>>) semaphore(%arg8 : memref<!tpu.dma_semaphore, #tpu.memory_space<semaphore_mem>>)
    %scan3A = arith.constant 0 : i32
    %scan3A_22 = arith.constant 0 : i32
    %scan3A_23 = arith.constant 50 : i32
    %scan3A_24 = arith.addi %scan3A_22, %scan3A_23 : i32
    %scan3A_25 = arith.constant 1 : i32
    scf.for %scan3A_86 = %scan3A_22 to %scan3A_24 step %scan3A_25  : i32 {
      %mul3A_87 = arith.constant 4 : i32
      %mul3A_88 = arith.muli %scan3A_86, %mul3A_87 : i32
      %add3A_89 = arith.constant 0 : i32
      %add3A_90 = arith.addi %mul3A_88, %add3A_89 : i32
      %add3A_91 = arith.constant 2 : i32
      %add3A_92 = arith.addi %add3A_90, %add3A_91 : i32
      %lt3A = arith.constant 200 : i32
      %lt3A_93 = arith.cmpi slt, %add3A_92, %lt3A : i32
      %convert_element_type3A = arith.extui %lt3A_93 : i1 to i32
      %cond3A = arith.constant 0 : i32
      %cond3A_94 = arith.cmpi ne, %convert_element_type3A, %cond3A : i32
      scf.if %cond3A_94 {
        %add3A_232 = arith.constant 2 : i32
        %add3A_233 = arith.addi %add3A_90, %add3A_232 : i32
        %ge3A = arith.constant 4 : i32
        %ge3A_234 = arith.cmpi sge, %add3A_233, %ge3A : i32
        %convert_element_type3A_235 = arith.extui %ge3A_234 : i1 to i32
        %cond3A_236 = arith.constant 0 : i32
        %cond3A_237 = arith.cmpi ne, %convert_element_type3A_235, %cond3A_236 : i32
        scf.if %cond3A_237 {
          %add3A_251 = arith.constant 2 : i32
          %add3A_252 = arith.addi %add3A_90, %add3A_251 : i32
          %sub3A = arith.constant 4 : i32
          %sub3A_253 = arith.subi %add3A_252, %sub3A : i32
          %mul3A_254 = arith.constant 128 : i32
          %mul3A_255 = arith.muli %sub3A_253, %mul3A_254 : i32
          %add3A_256 = arith.addi %mul3A_2, %mul3A_255 : i32
          %dma_wait3A_257 = arith.constant 2 : i32
          %dma_wait3A_258 = arith.constant 0 : i32
          %dma_wait3A_259 = arith.constant 0 : i32
          %dma_wait3A_260 = tpu.memref_slice %arg6[%dma_wait3A_257, %dma_wait3A_258, %dma_wait3A_259] : memref<4x128x128xf32, #tpu.memory_space<vmem>> -> memref<1x128x128xf32, #tpu.memory_space<vmem>>
          %dma_wait3A_261 = tpu.memref_squeeze %dma_wait3A_260 : memref<1x128x128xf32, #tpu.memory_space<vmem>> -> memref<128x128xf32, #tpu.memory_space<vmem>>
          %dma_wait3A_262 = arith.constant 0 : i32
          %dma_wait3A_263 = tpu.memref_slice %arg4[%add3A_256, %dma_wait3A_262] : memref<819200x128xf32, #tpu.memory_space<hbm>> -> memref<128x128xf32, #tpu.memory_space<hbm>>
          %dma_wait3A_264 = arith.constant 0 : i32
          %dma_wait3A_265 = tpu.memref_slice %arg4[%add3A_256, %dma_wait3A_264] : memref<819200x128xf32, #tpu.memory_space<hbm>> -> memref<128x128xf32, #tpu.memory_space<hbm>>
          %dma_wait3A_266 = arith.constant 0 : i32
          %dma_wait3A_267 = arith.constant 0 : i32
          %dma_wait3A_268 = tpu.memref_slice %arg6[%dma_wait3A_257, %dma_wait3A_266, %dma_wait3A_267] : memref<4x128x128xf32, #tpu.memory_space<vmem>> -> memref<1x128x128xf32, #tpu.memory_space<vmem>>
          %dma_wait3A_269 = tpu.memref_squeeze %dma_wait3A_268 : memref<1x128x128xf32, #tpu.memory_space<vmem>> -> memref<128x128xf32, #tpu.memory_space<vmem>>
          tpu.wait_dma2 semaphore(%arg13 : memref<!tpu.dma_semaphore, #tpu.memory_space<semaphore_mem>>) src(%dma_wait3A_269 : memref<128x128xf32, #tpu.memory_space<vmem>>) dst(%dma_wait3A_265 : memref<128x128xf32, #tpu.memory_space<hbm>>)
        } else {
        }
        %add3A_238 = arith.constant 2 : i32
        %add3A_239 = arith.addi %add3A_90, %add3A_238 : i32
        %mul3A_240 = arith.constant 128 : i32
        %mul3A_241 = arith.muli %add3A_239, %mul3A_240 : i32
        %dma_start3A_242 = arith.constant 2 : i32
        %dma_start3A_243 = arith.constant 0 : i32
        %dma_start3A_244 = arith.constant 0 : i32
        %dma_start3A_245 = tpu.memref_slice %arg6[%dma_start3A_242, %dma_start3A_243, %dma_start3A_244] : memref<4x128x128xf32, #tpu.memory_space<vmem>> -> memref<1x128x128xf32, #tpu.memory_space<vmem>>
        %dma_start3A_246 = tpu.memref_squeeze %dma_start3A_245 : memref<1x128x128xf32, #tpu.memory_space<vmem>> -> memref<128x128xf32, #tpu.memory_space<vmem>>
        %dma_start3A_247 = tpu.memref_slice %arg5[%mul3A_241] : memref<25600xi32, #tpu.memory_space<vmem>> -> memref<128xi32, #tpu.memory_space<vmem>>
        %dma_start3A_248 = arith.constant 0 : i32
        %dma_start3A_249 = arith.constant 0 : i32
        %dma_start3A_250 = tpu.memref_slice %arg3[%dma_start3A_248, %dma_start3A_249] : memref<1000000x128xf32, #tpu.memory_space<hbm>> -> memref<1000000x128xf32, #tpu.memory_space<hbm>>
        tpu.enqueue_indirect_dma source(%dma_start3A_250 : memref<1000000x128xf32, #tpu.memory_space<hbm>>) target(%dma_start3A_246 : memref<128x128xf32, #tpu.memory_space<vmem>>) offsets(%dma_start3A_247 : memref<128xi32, #tpu.memory_space<vmem>>) semaphore(%arg9 : memref<!tpu.dma_semaphore, #tpu.memory_space<semaphore_mem>>)
      } else {
      }
      %dma_wait3A_95 = arith.constant 0 : i32
      %dma_wait3A_96 = arith.constant 0 : i32
      %dma_wait3A_97 = arith.constant 0 : i32
      %dma_wait3A_98 = tpu.memref_slice %arg6[%dma_wait3A_95, %dma_wait3A_96, %dma_wait3A_97] : memref<4x128x128xf32, #tpu.memory_space<vmem>> -> memref<1x128x128xf32, #tpu.memory_space<vmem>>
      %dma_wait3A_99 = tpu.memref_squeeze %dma_wait3A_98 : memref<1x128x128xf32, #tpu.memory_space<vmem>> -> memref<128x128xf32, #tpu.memory_space<vmem>>
      %dma_wait3A_100 = arith.constant 0 : i32
      %dma_wait3A_101 = tpu.memref_slice %arg5[%dma_wait3A_100] : memref<25600xi32, #tpu.memory_space<vmem>> -> memref<128xi32, #tpu.memory_space<vmem>>
      %dma_wait3A_102 = arith.constant 0 : i32
      %dma_wait3A_103 = arith.constant 0 : i32
      %dma_wait3A_104 = tpu.memref_slice %arg3[%dma_wait3A_102, %dma_wait3A_103] : memref<1000000x128xf32, #tpu.memory_space<hbm>> -> memref<1000000x128xf32, #tpu.memory_space<hbm>>
      tpu.wait_indirect_dma semaphore(%arg7 : memref<!tpu.dma_semaphore, #tpu.memory_space<semaphore_mem>>) src(%dma_wait3A_104 : memref<1000000x128xf32, #tpu.memory_space<hbm>>) dst(%dma_wait3A_99 : memref<128x128xf32, #tpu.memory_space<vmem>>)
      %mul3A_105 = arith.constant 128 : i32
      %mul3A_106 = arith.muli %add3A_90, %mul3A_105 : i32
      %add3A_107 = arith.addi %mul3A_2, %mul3A_106 : i32
      %dma_start3A_108 = arith.constant 0 : i32
      %dma_start3A_109 = arith.constant 0 : i32
      %dma_start3A_110 = arith.constant 0 : i32
      %dma_start3A_111 = tpu.memref_slice %arg6[%dma_start3A_108, %dma_start3A_109, %dma_start3A_110] : memref<4x128x128xf32, #tpu.memory_space<vmem>> -> memref<1x128x128xf32, #tpu.memory_space<vmem>>
      %dma_start3A_112 = tpu.memref_squeeze %dma_start3A_111 : memref<1x128x128xf32, #tpu.memory_space<vmem>> -> memref<128x128xf32, #tpu.memory_space<vmem>>
      %dma_start3A_113 = arith.constant 0 : i32
      %dma_start3A_114 = tpu.memref_slice %arg4[%add3A_107, %dma_start3A_113] : memref<819200x128xf32, #tpu.memory_space<hbm>> -> memref<128x128xf32, #tpu.memory_space<hbm>>
      %dma_start3A_115 = arith.constant 0 : i32
      %dma_start3A_116 = tpu.memref_slice %arg4[%add3A_107, %dma_start3A_115] : memref<819200x128xf32, #tpu.memory_space<hbm>> -> memref<128x128xf32, #tpu.memory_space<hbm>>
      %dma_start3A_117 = arith.constant 0 : i32
      %dma_start3A_118 = arith.constant 0 : i32
      %dma_start3A_119 = tpu.memref_slice %arg6[%dma_start3A_108, %dma_start3A_117, %dma_start3A_118] : memref<4x128x128xf32, #tpu.memory_space<vmem>> -> memref<1x128x128xf32, #tpu.memory_space<vmem>>
      %dma_start3A_120 = tpu.memref_squeeze %dma_start3A_119 : memref<1x128x128xf32, #tpu.memory_space<vmem>> -> memref<128x128xf32, #tpu.memory_space<vmem>>
      tpu.enqueue_dma source(%dma_start3A_120 : memref<128x128xf32, #tpu.memory_space<vmem>>) target(%dma_start3A_116 : memref<128x128xf32, #tpu.memory_space<hbm>>) target_semaphore(%arg11 : memref<!tpu.dma_semaphore, #tpu.memory_space<semaphore_mem>>)
      %mul3A_121 = arith.constant 4 : i32
      %mul3A_122 = arith.muli %scan3A_86, %mul3A_121 : i32
      %add3A_123 = arith.constant 1 : i32
      %add3A_124 = arith.addi %mul3A_122, %add3A_123 : i32
      %add3A_125 = arith.constant 2 : i32
      %add3A_126 = arith.addi %add3A_124, %add3A_125 : i32
      %lt3A_127 = arith.constant 200 : i32
      %lt3A_128 = arith.cmpi slt, %add3A_126, %lt3A_127 : i32
      %convert_element_type3A_129 = arith.extui %lt3A_128 : i1 to i32
      %cond3A_130 = arith.constant 0 : i32
      %cond3A_131 = arith.cmpi ne, %convert_element_type3A_129, %cond3A_130 : i32
      scf.if %cond3A_131 {
        %add3A_232 = arith.constant 2 : i32
        %add3A_233 = arith.addi %add3A_124, %add3A_232 : i32
        %ge3A = arith.constant 4 : i32
        %ge3A_234 = arith.cmpi sge, %add3A_233, %ge3A : i32
        %convert_element_type3A_235 = arith.extui %ge3A_234 : i1 to i32
        %cond3A_236 = arith.constant 0 : i32
        %cond3A_237 = arith.cmpi ne, %convert_element_type3A_235, %cond3A_236 : i32
        scf.if %cond3A_237 {
          %add3A_251 = arith.constant 2 : i32
          %add3A_252 = arith.addi %add3A_124, %add3A_251 : i32
          %sub3A = arith.constant 4 : i32
          %sub3A_253 = arith.subi %add3A_252, %sub3A : i32
          %mul3A_254 = arith.constant 128 : i32
          %mul3A_255 = arith.muli %sub3A_253, %mul3A_254 : i32
          %add3A_256 = arith.addi %mul3A_2, %mul3A_255 : i32
          %dma_wait3A_257 = arith.constant 3 : i32
          %dma_wait3A_258 = arith.constant 0 : i32
          %dma_wait3A_259 = arith.constant 0 : i32
          %dma_wait3A_260 = tpu.memref_slice %arg6[%dma_wait3A_257, %dma_wait3A_258, %dma_wait3A_259] : memref<4x128x128xf32, #tpu.memory_space<vmem>> -> memref<1x128x128xf32, #tpu.memory_space<vmem>>
          %dma_wait3A_261 = tpu.memref_squeeze %dma_wait3A_260 : memref<1x128x128xf32, #tpu.memory_space<vmem>> -> memref<128x128xf32, #tpu.memory_space<vmem>>
          %dma_wait3A_262 = arith.constant 0 : i32
          %dma_wait3A_263 = tpu.memref_slice %arg4[%add3A_256, %dma_wait3A_262] : memref<819200x128xf32, #tpu.memory_space<hbm>> -> memref<128x128xf32, #tpu.memory_space<hbm>>
          %dma_wait3A_264 = arith.constant 0 : i32
          %dma_wait3A_265 = tpu.memref_slice %arg4[%add3A_256, %dma_wait3A_264] : memref<819200x128xf32, #tpu.memory_space<hbm>> -> memref<128x128xf32, #tpu.memory_space<hbm>>
          %dma_wait3A_266 = arith.constant 0 : i32
          %dma_wait3A_267 = arith.constant 0 : i32
          %dma_wait3A_268 = tpu.memref_slice %arg6[%dma_wait3A_257, %dma_wait3A_266, %dma_wait3A_267] : memref<4x128x128xf32, #tpu.memory_space<vmem>> -> memref<1x128x128xf32, #tpu.memory_space<vmem>>
          %dma_wait3A_269 = tpu.memref_squeeze %dma_wait3A_268 : memref<1x128x128xf32, #tpu.memory_space<vmem>> -> memref<128x128xf32, #tpu.memory_space<vmem>>
          tpu.wait_dma2 semaphore(%arg14 : memref<!tpu.dma_semaphore, #tpu.memory_space<semaphore_mem>>) src(%dma_wait3A_269 : memref<128x128xf32, #tpu.memory_space<vmem>>) dst(%dma_wait3A_265 : memref<128x128xf32, #tpu.memory_space<hbm>>)
        } else {
        }
        %add3A_238 = arith.constant 2 : i32
        %add3A_239 = arith.addi %add3A_124, %add3A_238 : i32
        %mul3A_240 = arith.constant 128 : i32
        %mul3A_241 = arith.muli %add3A_239, %mul3A_240 : i32
        %dma_start3A_242 = arith.constant 3 : i32
        %dma_start3A_243 = arith.constant 0 : i32
        %dma_start3A_244 = arith.constant 0 : i32
        %dma_start3A_245 = tpu.memref_slice %arg6[%dma_start3A_242, %dma_start3A_243, %dma_start3A_244] : memref<4x128x128xf32, #tpu.memory_space<vmem>> -> memref<1x128x128xf32, #tpu.memory_space<vmem>>
        %dma_start3A_246 = tpu.memref_squeeze %dma_start3A_245 : memref<1x128x128xf32, #tpu.memory_space<vmem>> -> memref<128x128xf32, #tpu.memory_space<vmem>>
        %dma_start3A_247 = tpu.memref_slice %arg5[%mul3A_241] : memref<25600xi32, #tpu.memory_space<vmem>> -> memref<128xi32, #tpu.memory_space<vmem>>
        %dma_start3A_248 = arith.constant 0 : i32
        %dma_start3A_249 = arith.constant 0 : i32
        %dma_start3A_250 = tpu.memref_slice %arg3[%dma_start3A_248, %dma_start3A_249] : memref<1000000x128xf32, #tpu.memory_space<hbm>> -> memref<1000000x128xf32, #tpu.memory_space<hbm>>
        tpu.enqueue_indirect_dma source(%dma_start3A_250 : memref<1000000x128xf32, #tpu.memory_space<hbm>>) target(%dma_start3A_246 : memref<128x128xf32, #tpu.memory_space<vmem>>) offsets(%dma_start3A_247 : memref<128xi32, #tpu.memory_space<vmem>>) semaphore(%arg10 : memref<!tpu.dma_semaphore, #tpu.memory_space<semaphore_mem>>)
      } else {
      }
      %dma_wait3A_132 = arith.constant 1 : i32
      %dma_wait3A_133 = arith.constant 0 : i32
      %dma_wait3A_134 = arith.constant 0 : i32
      %dma_wait3A_135 = tpu.memref_slice %arg6[%dma_wait3A_132, %dma_wait3A_133, %dma_wait3A_134] : memref<4x128x128xf32, #tpu.memory_space<vmem>> -> memref<1x128x128xf32, #tpu.memory_space<vmem>>
      %dma_wait3A_136 = tpu.memref_squeeze %dma_wait3A_135 : memref<1x128x128xf32, #tpu.memory_space<vmem>> -> memref<128x128xf32, #tpu.memory_space<vmem>>
      %dma_wait3A_137 = arith.constant 0 : i32
      %dma_wait3A_138 = tpu.memref_slice %arg5[%dma_wait3A_137] : memref<25600xi32, #tpu.memory_space<vmem>> -> memref<128xi32, #tpu.memory_space<vmem>>
      %dma_wait3A_139 = arith.constant 0 : i32
      %dma_wait3A_140 = arith.constant 0 : i32
      %dma_wait3A_141 = tpu.memref_slice %arg3[%dma_wait3A_139, %dma_wait3A_140] : memref<1000000x128xf32, #tpu.memory_space<hbm>> -> memref<1000000x128xf32, #tpu.memory_space<hbm>>
      tpu.wait_indirect_dma semaphore(%arg8 : memref<!tpu.dma_semaphore, #tpu.memory_space<semaphore_mem>>) src(%dma_wait3A_141 : memref<1000000x128xf32, #tpu.memory_space<hbm>>) dst(%dma_wait3A_136 : memref<128x128xf32, #tpu.memory_space<vmem>>)
      %mul3A_142 = arith.constant 128 : i32
      %mul3A_143 = arith.muli %add3A_124, %mul3A_142 : i32
      %add3A_144 = arith.addi %mul3A_2, %mul3A_143 : i32
      %dma_start3A_145 = arith.constant 1 : i32
      %dma_start3A_146 = arith.constant 0 : i32
      %dma_start3A_147 = arith.constant 0 : i32
      %dma_start3A_148 = tpu.memref_slice %arg6[%dma_start3A_145, %dma_start3A_146, %dma_start3A_147] : memref<4x128x128xf32, #tpu.memory_space<vmem>> -> memref<1x128x128xf32, #tpu.memory_space<vmem>>
      %dma_start3A_149 = tpu.memref_squeeze %dma_start3A_148 : memref<1x128x128xf32, #tpu.memory_space<vmem>> -> memref<128x128xf32, #tpu.memory_space<vmem>>
      %dma_start3A_150 = arith.constant 0 : i32
      %dma_start3A_151 = tpu.memref_slice %arg4[%add3A_144, %dma_start3A_150] : memref<819200x128xf32, #tpu.memory_space<hbm>> -> memref<128x128xf32, #tpu.memory_space<hbm>>
      %dma_start3A_152 = arith.constant 0 : i32
      %dma_start3A_153 = tpu.memref_slice %arg4[%add3A_144, %dma_start3A_152] : memref<819200x128xf32, #tpu.memory_space<hbm>> -> memref<128x128xf32, #tpu.memory_space<hbm>>
      %dma_start3A_154 = arith.constant 0 : i32
      %dma_start3A_155 = arith.constant 0 : i32
      %dma_start3A_156 = tpu.memref_slice %arg6[%dma_start3A_145, %dma_start3A_154, %dma_start3A_155] : memref<4x128x128xf32, #tpu.memory_space<vmem>> -> memref<1x128x128xf32, #tpu.memory_space<vmem>>
      %dma_start3A_157 = tpu.memref_squeeze %dma_start3A_156 : memref<1x128x128xf32, #tpu.memory_space<vmem>> -> memref<128x128xf32, #tpu.memory_space<vmem>>
      tpu.enqueue_dma source(%dma_start3A_157 : memref<128x128xf32, #tpu.memory_space<vmem>>) target(%dma_start3A_153 : memref<128x128xf32, #tpu.memory_space<hbm>>) target_semaphore(%arg12 : memref<!tpu.dma_semaphore, #tpu.memory_space<semaphore_mem>>)
      %mul3A_158 = arith.constant 4 : i32
      %mul3A_159 = arith.muli %scan3A_86, %mul3A_158 : i32
      %add3A_160 = arith.constant 2 : i32
      %add3A_161 = arith.addi %mul3A_159, %add3A_160 : i32
      %add3A_162 = arith.constant 2 : i32
      %add3A_163 = arith.addi %add3A_161, %add3A_162 : i32
      %lt3A_164 = arith.constant 200 : i32
      %lt3A_165 = arith.cmpi slt, %add3A_163, %lt3A_164 : i32
      %convert_element_type3A_166 = arith.extui %lt3A_165 : i1 to i32
      %cond3A_167 = arith.constant 0 : i32
      %cond3A_168 = arith.cmpi ne, %convert_element_type3A_166, %cond3A_167 : i32
      scf.if %cond3A_168 {
        %add3A_232 = arith.constant 2 : i32
        %add3A_233 = arith.addi %add3A_161, %add3A_232 : i32
        %ge3A = arith.constant 4 : i32
        %ge3A_234 = arith.cmpi sge, %add3A_233, %ge3A : i32
        %convert_element_type3A_235 = arith.extui %ge3A_234 : i1 to i32
        %cond3A_236 = arith.constant 0 : i32
        %cond3A_237 = arith.cmpi ne, %convert_element_type3A_235, %cond3A_236 : i32
        scf.if %cond3A_237 {
          %add3A_251 = arith.constant 2 : i32
          %add3A_252 = arith.addi %add3A_161, %add3A_251 : i32
          %sub3A = arith.constant 4 : i32
          %sub3A_253 = arith.subi %add3A_252, %sub3A : i32
          %mul3A_254 = arith.constant 128 : i32
          %mul3A_255 = arith.muli %sub3A_253, %mul3A_254 : i32
          %add3A_256 = arith.addi %mul3A_2, %mul3A_255 : i32
          %dma_wait3A_257 = arith.constant 0 : i32
          %dma_wait3A_258 = arith.constant 0 : i32
          %dma_wait3A_259 = arith.constant 0 : i32
          %dma_wait3A_260 = tpu.memref_slice %arg6[%dma_wait3A_257, %dma_wait3A_258, %dma_wait3A_259] : memref<4x128x128xf32, #tpu.memory_space<vmem>> -> memref<1x128x128xf32, #tpu.memory_space<vmem>>
          %dma_wait3A_261 = tpu.memref_squeeze %dma_wait3A_260 : memref<1x128x128xf32, #tpu.memory_space<vmem>> -> memref<128x128xf32, #tpu.memory_space<vmem>>
          %dma_wait3A_262 = arith.constant 0 : i32
          %dma_wait3A_263 = tpu.memref_slice %arg4[%add3A_256, %dma_wait3A_262] : memref<819200x128xf32, #tpu.memory_space<hbm>> -> memref<128x128xf32, #tpu.memory_space<hbm>>
          %dma_wait3A_264 = arith.constant 0 : i32
          %dma_wait3A_265 = tpu.memref_slice %arg4[%add3A_256, %dma_wait3A_264] : memref<819200x128xf32, #tpu.memory_space<hbm>> -> memref<128x128xf32, #tpu.memory_space<hbm>>
          %dma_wait3A_266 = arith.constant 0 : i32
          %dma_wait3A_267 = arith.constant 0 : i32
          %dma_wait3A_268 = tpu.memref_slice %arg6[%dma_wait3A_257, %dma_wait3A_266, %dma_wait3A_267] : memref<4x128x128xf32, #tpu.memory_space<vmem>> -> memref<1x128x128xf32, #tpu.memory_space<vmem>>
          %dma_wait3A_269 = tpu.memref_squeeze %dma_wait3A_268 : memref<1x128x128xf32, #tpu.memory_space<vmem>> -> memref<128x128xf32, #tpu.memory_space<vmem>>
          tpu.wait_dma2 semaphore(%arg11 : memref<!tpu.dma_semaphore, #tpu.memory_space<semaphore_mem>>) src(%dma_wait3A_269 : memref<128x128xf32, #tpu.memory_space<vmem>>) dst(%dma_wait3A_265 : memref<128x128xf32, #tpu.memory_space<hbm>>)
        } else {
        }
        %add3A_238 = arith.constant 2 : i32
        %add3A_239 = arith.addi %add3A_161, %add3A_238 : i32
        %mul3A_240 = arith.constant 128 : i32
        %mul3A_241 = arith.muli %add3A_239, %mul3A_240 : i32
        %dma_start3A_242 = arith.constant 0 : i32
        %dma_start3A_243 = arith.constant 0 : i32
        %dma_start3A_244 = arith.constant 0 : i32
        %dma_start3A_245 = tpu.memref_slice %arg6[%dma_start3A_242, %dma_start3A_243, %dma_start3A_244] : memref<4x128x128xf32, #tpu.memory_space<vmem>> -> memref<1x128x128xf32, #tpu.memory_space<vmem>>
        %dma_start3A_246 = tpu.memref_squeeze %dma_start3A_245 : memref<1x128x128xf32, #tpu.memory_space<vmem>> -> memref<128x128xf32, #tpu.memory_space<vmem>>
        %dma_start3A_247 = tpu.memref_slice %arg5[%mul3A_241] : memref<25600xi32, #tpu.memory_space<vmem>> -> memref<128xi32, #tpu.memory_space<vmem>>
        %dma_start3A_248 = arith.constant 0 : i32
        %dma_start3A_249 = arith.constant 0 : i32
        %dma_start3A_250 = tpu.memref_slice %arg3[%dma_start3A_248, %dma_start3A_249] : memref<1000000x128xf32, #tpu.memory_space<hbm>> -> memref<1000000x128xf32, #tpu.memory_space<hbm>>
        tpu.enqueue_indirect_dma source(%dma_start3A_250 : memref<1000000x128xf32, #tpu.memory_space<hbm>>) target(%dma_start3A_246 : memref<128x128xf32, #tpu.memory_space<vmem>>) offsets(%dma_start3A_247 : memref<128xi32, #tpu.memory_space<vmem>>) semaphore(%arg7 : memref<!tpu.dma_semaphore, #tpu.memory_space<semaphore_mem>>)
      } else {
      }
      %dma_wait3A_169 = arith.constant 2 : i32
      %dma_wait3A_170 = arith.constant 0 : i32
      %dma_wait3A_171 = arith.constant 0 : i32
      %dma_wait3A_172 = tpu.memref_slice %arg6[%dma_wait3A_169, %dma_wait3A_170, %dma_wait3A_171] : memref<4x128x128xf32, #tpu.memory_space<vmem>> -> memref<1x128x128xf32, #tpu.memory_space<vmem>>
      %dma_wait3A_173 = tpu.memref_squeeze %dma_wait3A_172 : memref<1x128x128xf32, #tpu.memory_space<vmem>> -> memref<128x128xf32, #tpu.memory_space<vmem>>
      %dma_wait3A_174 = arith.constant 0 : i32
      %dma_wait3A_175 = tpu.memref_slice %arg5[%dma_wait3A_174] : memref<25600xi32, #tpu.memory_space<vmem>> -> memref<128xi32, #tpu.memory_space<vmem>>
      %dma_wait3A_176 = arith.constant 0 : i32
      %dma_wait3A_177 = arith.constant 0 : i32
      %dma_wait3A_178 = tpu.memref_slice %arg3[%dma_wait3A_176, %dma_wait3A_177] : memref<1000000x128xf32, #tpu.memory_space<hbm>> -> memref<1000000x128xf32, #tpu.memory_space<hbm>>
      tpu.wait_indirect_dma semaphore(%arg9 : memref<!tpu.dma_semaphore, #tpu.memory_space<semaphore_mem>>) src(%dma_wait3A_178 : memref<1000000x128xf32, #tpu.memory_space<hbm>>) dst(%dma_wait3A_173 : memref<128x128xf32, #tpu.memory_space<vmem>>)
      %mul3A_179 = arith.constant 128 : i32
      %mul3A_180 = arith.muli %add3A_161, %mul3A_179 : i32
      %add3A_181 = arith.addi %mul3A_2, %mul3A_180 : i32
      %dma_start3A_182 = arith.constant 2 : i32
      %dma_start3A_183 = arith.constant 0 : i32
      %dma_start3A_184 = arith.constant 0 : i32
      %dma_start3A_185 = tpu.memref_slice %arg6[%dma_start3A_182, %dma_start3A_183, %dma_start3A_184] : memref<4x128x128xf32, #tpu.memory_space<vmem>> -> memref<1x128x128xf32, #tpu.memory_space<vmem>>
      %dma_start3A_186 = tpu.memref_squeeze %dma_start3A_185 : memref<1x128x128xf32, #tpu.memory_space<vmem>> -> memref<128x128xf32, #tpu.memory_space<vmem>>
      %dma_start3A_187 = arith.constant 0 : i32
      %dma_start3A_188 = tpu.memref_slice %arg4[%add3A_181, %dma_start3A_187] : memref<819200x128xf32, #tpu.memory_space<hbm>> -> memref<128x128xf32, #tpu.memory_space<hbm>>
      %dma_start3A_189 = arith.constant 0 : i32
      %dma_start3A_190 = tpu.memref_slice %arg4[%add3A_181, %dma_start3A_189] : memref<819200x128xf32, #tpu.memory_space<hbm>> -> memref<128x128xf32, #tpu.memory_space<hbm>>
      %dma_start3A_191 = arith.constant 0 : i32
      %dma_start3A_192 = arith.constant 0 : i32
      %dma_start3A_193 = tpu.memref_slice %arg6[%dma_start3A_182, %dma_start3A_191, %dma_start3A_192] : memref<4x128x128xf32, #tpu.memory_space<vmem>> -> memref<1x128x128xf32, #tpu.memory_space<vmem>>
      %dma_start3A_194 = tpu.memref_squeeze %dma_start3A_193 : memref<1x128x128xf32, #tpu.memory_space<vmem>> -> memref<128x128xf32, #tpu.memory_space<vmem>>
      tpu.enqueue_dma source(%dma_start3A_194 : memref<128x128xf32, #tpu.memory_space<vmem>>) target(%dma_start3A_190 : memref<128x128xf32, #tpu.memory_space<hbm>>) target_semaphore(%arg13 : memref<!tpu.dma_semaphore, #tpu.memory_space<semaphore_mem>>)
      %mul3A_195 = arith.constant 4 : i32
      %mul3A_196 = arith.muli %scan3A_86, %mul3A_195 : i32
      %add3A_197 = arith.constant 3 : i32
      %add3A_198 = arith.addi %mul3A_196, %add3A_197 : i32
      %add3A_199 = arith.constant 2 : i32
      %add3A_200 = arith.addi %add3A_198, %add3A_199 : i32
      %lt3A_201 = arith.constant 200 : i32
      %lt3A_202 = arith.cmpi slt, %add3A_200, %lt3A_201 : i32
      %convert_element_type3A_203 = arith.extui %lt3A_202 : i1 to i32
      %cond3A_204 = arith.constant 0 : i32
      %cond3A_205 = arith.cmpi ne, %convert_element_type3A_203, %cond3A_204 : i32
      scf.if %cond3A_205 {
        %add3A_232 = arith.constant 2 : i32
        %add3A_233 = arith.addi %add3A_198, %add3A_232 : i32
        %ge3A = arith.constant 4 : i32
        %ge3A_234 = arith.cmpi sge, %add3A_233, %ge3A : i32
        %convert_element_type3A_235 = arith.extui %ge3A_234 : i1 to i32
        %cond3A_236 = arith.constant 0 : i32
        %cond3A_237 = arith.cmpi ne, %convert_element_type3A_235, %cond3A_236 : i32
        scf.if %cond3A_237 {
          %add3A_251 = arith.constant 2 : i32
          %add3A_252 = arith.addi %add3A_198, %add3A_251 : i32
          %sub3A = arith.constant 4 : i32
          %sub3A_253 = arith.subi %add3A_252, %sub3A : i32
          %mul3A_254 = arith.constant 128 : i32
          %mul3A_255 = arith.muli %sub3A_253, %mul3A_254 : i32
          %add3A_256 = arith.addi %mul3A_2, %mul3A_255 : i32
          %dma_wait3A_257 = arith.constant 1 : i32
          %dma_wait3A_258 = arith.constant 0 : i32
          %dma_wait3A_259 = arith.constant 0 : i32
          %dma_wait3A_260 = tpu.memref_slice %arg6[%dma_wait3A_257, %dma_wait3A_258, %dma_wait3A_259] : memref<4x128x128xf32, #tpu.memory_space<vmem>> -> memref<1x128x128xf32, #tpu.memory_space<vmem>>
          %dma_wait3A_261 = tpu.memref_squeeze %dma_wait3A_260 : memref<1x128x128xf32, #tpu.memory_space<vmem>> -> memref<128x128xf32, #tpu.memory_space<vmem>>
          %dma_wait3A_262 = arith.constant 0 : i32
          %dma_wait3A_263 = tpu.memref_slice %arg4[%add3A_256, %dma_wait3A_262] : memref<819200x128xf32, #tpu.memory_space<hbm>> -> memref<128x128xf32, #tpu.memory_space<hbm>>
          %dma_wait3A_264 = arith.constant 0 : i32
          %dma_wait3A_265 = tpu.memref_slice %arg4[%add3A_256, %dma_wait3A_264] : memref<819200x128xf32, #tpu.memory_space<hbm>> -> memref<128x128xf32, #tpu.memory_space<hbm>>
          %dma_wait3A_266 = arith.constant 0 : i32
          %dma_wait3A_267 = arith.constant 0 : i32
          %dma_wait3A_268 = tpu.memref_slice %arg6[%dma_wait3A_257, %dma_wait3A_266, %dma_wait3A_267] : memref<4x128x128xf32, #tpu.memory_space<vmem>> -> memref<1x128x128xf32, #tpu.memory_space<vmem>>
          %dma_wait3A_269 = tpu.memref_squeeze %dma_wait3A_268 : memref<1x128x128xf32, #tpu.memory_space<vmem>> -> memref<128x128xf32, #tpu.memory_space<vmem>>
          tpu.wait_dma2 semaphore(%arg12 : memref<!tpu.dma_semaphore, #tpu.memory_space<semaphore_mem>>) src(%dma_wait3A_269 : memref<128x128xf32, #tpu.memory_space<vmem>>) dst(%dma_wait3A_265 : memref<128x128xf32, #tpu.memory_space<hbm>>)
        } else {
        }
        %add3A_238 = arith.constant 2 : i32
        %add3A_239 = arith.addi %add3A_198, %add3A_238 : i32
        %mul3A_240 = arith.constant 128 : i32
        %mul3A_241 = arith.muli %add3A_239, %mul3A_240 : i32
        %dma_start3A_242 = arith.constant 1 : i32
        %dma_start3A_243 = arith.constant 0 : i32
        %dma_start3A_244 = arith.constant 0 : i32
        %dma_start3A_245 = tpu.memref_slice %arg6[%dma_start3A_242, %dma_start3A_243, %dma_start3A_244] : memref<4x128x128xf32, #tpu.memory_space<vmem>> -> memref<1x128x128xf32, #tpu.memory_space<vmem>>
        %dma_start3A_246 = tpu.memref_squeeze %dma_start3A_245 : memref<1x128x128xf32, #tpu.memory_space<vmem>> -> memref<128x128xf32, #tpu.memory_space<vmem>>
        %dma_start3A_247 = tpu.memref_slice %arg5[%mul3A_241] : memref<25600xi32, #tpu.memory_space<vmem>> -> memref<128xi32, #tpu.memory_space<vmem>>
        %dma_start3A_248 = arith.constant 0 : i32
        %dma_start3A_249 = arith.constant 0 : i32
        %dma_start3A_250 = tpu.memref_slice %arg3[%dma_start3A_248, %dma_start3A_249] : memref<1000000x128xf32, #tpu.memory_space<hbm>> -> memref<1000000x128xf32, #tpu.memory_space<hbm>>
        tpu.enqueue_indirect_dma source(%dma_start3A_250 : memref<1000000x128xf32, #tpu.memory_space<hbm>>) target(%dma_start3A_246 : memref<128x128xf32, #tpu.memory_space<vmem>>) offsets(%dma_start3A_247 : memref<128xi32, #tpu.memory_space<vmem>>) semaphore(%arg8 : memref<!tpu.dma_semaphore, #tpu.memory_space<semaphore_mem>>)
      } else {
      }
      %dma_wait3A_206 = arith.constant 3 : i32
      %dma_wait3A_207 = arith.constant 0 : i32
      %dma_wait3A_208 = arith.constant 0 : i32
      %dma_wait3A_209 = tpu.memref_slice %arg6[%dma_wait3A_206, %dma_wait3A_207, %dma_wait3A_208] : memref<4x128x128xf32, #tpu.memory_space<vmem>> -> memref<1x128x128xf32, #tpu.memory_space<vmem>>
      %dma_wait3A_210 = tpu.memref_squeeze %dma_wait3A_209 : memref<1x128x128xf32, #tpu.memory_space<vmem>> -> memref<128x128xf32, #tpu.memory_space<vmem>>
      %dma_wait3A_211 = arith.constant 0 : i32
      %dma_wait3A_212 = tpu.memref_slice %arg5[%dma_wait3A_211] : memref<25600xi32, #tpu.memory_space<vmem>> -> memref<128xi32, #tpu.memory_space<vmem>>
      %dma_wait3A_213 = arith.constant 0 : i32
      %dma_wait3A_214 = arith.constant 0 : i32
      %dma_wait3A_215 = tpu.memref_slice %arg3[%dma_wait3A_213, %dma_wait3A_214] : memref<1000000x128xf32, #tpu.memory_space<hbm>> -> memref<1000000x128xf32, #tpu.memory_space<hbm>>
      tpu.wait_indirect_dma semaphore(%arg10 : memref<!tpu.dma_semaphore, #tpu.memory_space<semaphore_mem>>) src(%dma_wait3A_215 : memref<1000000x128xf32, #tpu.memory_space<hbm>>) dst(%dma_wait3A_210 : memref<128x128xf32, #tpu.memory_space<vmem>>)
      %mul3A_216 = arith.constant 128 : i32
      %mul3A_217 = arith.muli %add3A_198, %mul3A_216 : i32
      %add3A_218 = arith.addi %mul3A_2, %mul3A_217 : i32
      %dma_start3A_219 = arith.constant 3 : i32
      %dma_start3A_220 = arith.constant 0 : i32
      %dma_start3A_221 = arith.constant 0 : i32
      %dma_start3A_222 = tpu.memref_slice %arg6[%dma_start3A_219, %dma_start3A_220, %dma_start3A_221] : memref<4x128x128xf32, #tpu.memory_space<vmem>> -> memref<1x128x128xf32, #tpu.memory_space<vmem>>
      %dma_start3A_223 = tpu.memref_squeeze %dma_start3A_222 : memref<1x128x128xf32, #tpu.memory_space<vmem>> -> memref<128x128xf32, #tpu.memory_space<vmem>>
      %dma_start3A_224 = arith.constant 0 : i32
      %dma_start3A_225 = tpu.memref_slice %arg4[%add3A_218, %dma_start3A_224] : memref<819200x128xf32, #tpu.memory_space<hbm>> -> memref<128x128xf32, #tpu.memory_space<hbm>>
      %dma_start3A_226 = arith.constant 0 : i32
      %dma_start3A_227 = tpu.memref_slice %arg4[%add3A_218, %dma_start3A_226] : memref<819200x128xf32, #tpu.memory_space<hbm>> -> memref<128x128xf32, #tpu.memory_space<hbm>>
      %dma_start3A_228 = arith.constant 0 : i32
      %dma_start3A_229 = arith.constant 0 : i32
      %dma_start3A_230 = tpu.memref_slice %arg6[%dma_start3A_219, %dma_start3A_228, %dma_start3A_229] : memref<4x128x128xf32, #tpu.memory_space<vmem>> -> memref<1x128x128xf32, #tpu.memory_space<vmem>>
      %dma_start3A_231 = tpu.memref_squeeze %dma_start3A_230 : memref<1x128x128xf32, #tpu.memory_space<vmem>> -> memref<128x128xf32, #tpu.memory_space<vmem>>
      tpu.enqueue_dma source(%dma_start3A_231 : memref<128x128xf32, #tpu.memory_space<vmem>>) target(%dma_start3A_227 : memref<128x128xf32, #tpu.memory_space<hbm>>) target_semaphore(%arg14 : memref<!tpu.dma_semaphore, #tpu.memory_space<semaphore_mem>>)
    }
    %scan3A_26 = arith.constant 50 : i32
    %add3A_27 = arith.constant 25088 : i32
    %add3A_28 = arith.addi %mul3A_2, %add3A_27 : i32
    %dma_wait3A = arith.constant 0 : i32
    %dma_wait3A_29 = arith.constant 0 : i32
    %dma_wait3A_30 = arith.constant 0 : i32
    %dma_wait3A_31 = tpu.memref_slice %arg6[%dma_wait3A, %dma_wait3A_29, %dma_wait3A_30] : memref<4x128x128xf32, #tpu.memory_space<vmem>> -> memref<1x128x128xf32, #tpu.memory_space<vmem>>
    %dma_wait3A_32 = tpu.memref_squeeze %dma_wait3A_31 : memref<1x128x128xf32, #tpu.memory_space<vmem>> -> memref<128x128xf32, #tpu.memory_space<vmem>>
    %dma_wait3A_33 = arith.constant 0 : i32
    %dma_wait3A_34 = tpu.memref_slice %arg4[%add3A_28, %dma_wait3A_33] : memref<819200x128xf32, #tpu.memory_space<hbm>> -> memref<128x128xf32, #tpu.memory_space<hbm>>
    %dma_wait3A_35 = arith.constant 0 : i32
    %dma_wait3A_36 = tpu.memref_slice %arg4[%add3A_28, %dma_wait3A_35] : memref<819200x128xf32, #tpu.memory_space<hbm>> -> memref<128x128xf32, #tpu.memory_space<hbm>>
    %dma_wait3A_37 = arith.constant 0 : i32
    %dma_wait3A_38 = arith.constant 0 : i32
    %dma_wait3A_39 = tpu.memref_slice %arg6[%dma_wait3A, %dma_wait3A_37, %dma_wait3A_38] : memref<4x128x128xf32, #tpu.memory_space<vmem>> -> memref<1x128x128xf32, #tpu.memory_space<vmem>>
    %dma_wait3A_40 = tpu.memref_squeeze %dma_wait3A_39 : memref<1x128x128xf32, #tpu.memory_space<vmem>> -> memref<128x128xf32, #tpu.memory_space<vmem>>
    tpu.wait_dma2 semaphore(%arg11 : memref<!tpu.dma_semaphore, #tpu.memory_space<semaphore_mem>>) src(%dma_wait3A_40 : memref<128x128xf32, #tpu.memory_space<vmem>>) dst(%dma_wait3A_36 : memref<128x128xf32, #tpu.memory_space<hbm>>)
    %add3A_41 = arith.constant 25216 : i32
    %add3A_42 = arith.addi %mul3A_2, %add3A_41 : i32
    %dma_wait3A_43 = arith.constant 1 : i32
    %dma_wait3A_44 = arith.constant 0 : i32
    %dma_wait3A_45 = arith.constant 0 : i32
    %dma_wait3A_46 = tpu.memref_slice %arg6[%dma_wait3A_43, %dma_wait3A_44, %dma_wait3A_45] : memref<4x128x128xf32, #tpu.memory_space<vmem>> -> memref<1x128x128xf32, #tpu.memory_space<vmem>>
    %dma_wait3A_47 = tpu.memref_squeeze %dma_wait3A_46 : memref<1x128x128xf32, #tpu.memory_space<vmem>> -> memref<128x128xf32, #tpu.memory_space<vmem>>
    %dma_wait3A_48 = arith.constant 0 : i32
    %dma_wait3A_49 = tpu.memref_slice %arg4[%add3A_42, %dma_wait3A_48] : memref<819200x128xf32, #tpu.memory_space<hbm>> -> memref<128x128xf32, #tpu.memory_space<hbm>>
    %dma_wait3A_50 = arith.constant 0 : i32
    %dma_wait3A_51 = tpu.memref_slice %arg4[%add3A_42, %dma_wait3A_50] : memref<819200x128xf32, #tpu.memory_space<hbm>> -> memref<128x128xf32, #tpu.memory_space<hbm>>
    %dma_wait3A_52 = arith.constant 0 : i32
    %dma_wait3A_53 = arith.constant 0 : i32
    %dma_wait3A_54 = tpu.memref_slice %arg6[%dma_wait3A_43, %dma_wait3A_52, %dma_wait3A_53] : memref<4x128x128xf32, #tpu.memory_space<vmem>> -> memref<1x128x128xf32, #tpu.memory_space<vmem>>
    %dma_wait3A_55 = tpu.memref_squeeze %dma_wait3A_54 : memref<1x128x128xf32, #tpu.memory_space<vmem>> -> memref<128x128xf32, #tpu.memory_space<vmem>>
    tpu.wait_dma2 semaphore(%arg12 : memref<!tpu.dma_semaphore, #tpu.memory_space<semaphore_mem>>) src(%dma_wait3A_55 : memref<128x128xf32, #tpu.memory_space<vmem>>) dst(%dma_wait3A_51 : memref<128x128xf32, #tpu.memory_space<hbm>>)
    %add3A_56 = arith.constant 25344 : i32
    %add3A_57 = arith.addi %mul3A_2, %add3A_56 : i32
    %dma_wait3A_58 = arith.constant 2 : i32
    %dma_wait3A_59 = arith.constant 0 : i32
    %dma_wait3A_60 = arith.constant 0 : i32
    %dma_wait3A_61 = tpu.memref_slice %arg6[%dma_wait3A_58, %dma_wait3A_59, %dma_wait3A_60] : memref<4x128x128xf32, #tpu.memory_space<vmem>> -> memref<1x128x128xf32, #tpu.memory_space<vmem>>
    %dma_wait3A_62 = tpu.memref_squeeze %dma_wait3A_61 : memref<1x128x128xf32, #tpu.memory_space<vmem>> -> memref<128x128xf32, #tpu.memory_space<vmem>>
    %dma_wait3A_63 = arith.constant 0 : i32
    %dma_wait3A_64 = tpu.memref_slice %arg4[%add3A_57, %dma_wait3A_63] : memref<819200x128xf32, #tpu.memory_space<hbm>> -> memref<128x128xf32, #tpu.memory_space<hbm>>
    %dma_wait3A_65 = arith.constant 0 : i32
    %dma_wait3A_66 = tpu.memref_slice %arg4[%add3A_57, %dma_wait3A_65] : memref<819200x128xf32, #tpu.memory_space<hbm>> -> memref<128x128xf32, #tpu.memory_space<hbm>>
    %dma_wait3A_67 = arith.constant 0 : i32
    %dma_wait3A_68 = arith.constant 0 : i32
    %dma_wait3A_69 = tpu.memref_slice %arg6[%dma_wait3A_58, %dma_wait3A_67, %dma_wait3A_68] : memref<4x128x128xf32, #tpu.memory_space<vmem>> -> memref<1x128x128xf32, #tpu.memory_space<vmem>>
    %dma_wait3A_70 = tpu.memref_squeeze %dma_wait3A_69 : memref<1x128x128xf32, #tpu.memory_space<vmem>> -> memref<128x128xf32, #tpu.memory_space<vmem>>
    tpu.wait_dma2 semaphore(%arg13 : memref<!tpu.dma_semaphore, #tpu.memory_space<semaphore_mem>>) src(%dma_wait3A_70 : memref<128x128xf32, #tpu.memory_space<vmem>>) dst(%dma_wait3A_66 : memref<128x128xf32, #tpu.memory_space<hbm>>)
    %add3A_71 = arith.constant 25472 : i32
    %add3A_72 = arith.addi %mul3A_2, %add3A_71 : i32
    %dma_wait3A_73 = arith.constant 3 : i32
    %dma_wait3A_74 = arith.constant 0 : i32
    %dma_wait3A_75 = arith.constant 0 : i32
    %dma_wait3A_76 = tpu.memref_slice %arg6[%dma_wait3A_73, %dma_wait3A_74, %dma_wait3A_75] : memref<4x128x128xf32, #tpu.memory_space<vmem>> -> memref<1x128x128xf32, #tpu.memory_space<vmem>>
    %dma_wait3A_77 = tpu.memref_squeeze %dma_wait3A_76 : memref<1x128x128xf32, #tpu.memory_space<vmem>> -> memref<128x128xf32, #tpu.memory_space<vmem>>
    %dma_wait3A_78 = arith.constant 0 : i32
    %dma_wait3A_79 = tpu.memref_slice %arg4[%add3A_72, %dma_wait3A_78] : memref<819200x128xf32, #tpu.memory_space<hbm>> -> memref<128x128xf32, #tpu.memory_space<hbm>>
    %dma_wait3A_80 = arith.constant 0 : i32
    %dma_wait3A_81 = tpu.memref_slice %arg4[%add3A_72, %dma_wait3A_80] : memref<819200x128xf32, #tpu.memory_space<hbm>> -> memref<128x128xf32, #tpu.memory_space<hbm>>
    %dma_wait3A_82 = arith.constant 0 : i32
    %dma_wait3A_83 = arith.constant 0 : i32
    %dma_wait3A_84 = tpu.memref_slice %arg6[%dma_wait3A_73, %dma_wait3A_82, %dma_wait3A_83] : memref<4x128x128xf32, #tpu.memory_space<vmem>> -> memref<1x128x128xf32, #tpu.memory_space<vmem>>
    %dma_wait3A_85 = tpu.memref_squeeze %dma_wait3A_84 : memref<1x128x128xf32, #tpu.memory_space<vmem>> -> memref<128x128xf32, #tpu.memory_space<vmem>>
    tpu.wait_dma2 semaphore(%arg14 : memref<!tpu.dma_semaphore, #tpu.memory_space<semaphore_mem>>) src(%dma_wait3A_85 : memref<128x128xf32, #tpu.memory_space<vmem>>) dst(%dma_wait3A_81 : memref<128x128xf32, #tpu.memory_space<hbm>>)
    return
  }
}

</mosaic_0001>

<sc_bundles>
// kernel: kernel.3.cloned.1.call-start
scs
__scs_entry_jumppad:
0x0: {  	(pc) =	sbr.rel $0x88, $3  }
0x1: {  	(tag) =	ssettag $0x0;
	lr =	simm.s32 $0x1  }
0x2: {  	[smem:$0x3F9F] =	sst lr;
	_ =	strace $0xD0000000  }
0x3: {  	_ = 	snop  }
0x4: {  	_ = 	snop  }
0x5: {  	_ = 	snop  }
0x6: {  	_ = 	snop  }
0x7: {  	_ = 	snop  }
__scs_overlays_trampoline_lowered:
0x8: {  	[smem:$0x3FAE] =	sst s0  }
0x9: {  	[smem:$0x3FAF] =	sst s1  }
0xa: {  	[smem:$0x3FB0] =	sst s2  }
0xb: {  	[smem:$0x3FB1] =	sst s3  }
0xc: {  	[smem:$0x3FB2] =	sst s4  }
0xd: {  	[smem:$0x3FB3] =	sst s5  }
0xe: {  	[smem:$0x3FB4] =	sst s6  }
0xf: {  	[smem:$0x3FB5] =	sst s7  }
0x10: {  	[smem:$0x3FB6] =	sst s8  }
0x11: {  	[smem:$0x3FB7] =	sst s9;
	s0 =	simm.s32 @!p0 $0x0  }
0x12: {  	s1 =	sld [smem:$0x3F9D];
	s0 =	simm.s32 @p0 $0x1  }
0x13: {  	[smem:$0x3FB8] =	sst s0;
	s0 =	simm.s32 @!p1 $0x0  }
0x14: {  	s2 =	sld [smem:$0x3F9C];
	s0 =	simm.s32 @p1 $0x1  }
0x15: {  	[smem:$0x3FB9] =	sst s0;
	s0 =	simm.s32 @!p2 $0x0  }
0x16: {  	s3 =	sld [smem:$0x3FDB];
	s0 =	simm.s32 @p2 $0x1  }
0x17: {  	s4 =	simm.s32 $0x1BF5;
	[smem:$0x3FBB] =	sst s0  }
0x18: {  	s0 =	sld [smem:$0x3F9E];
	_ =	swait.ge [sflag:s4], $0x0  }
0x19: {  	s7 =	sld [smem:$0x3F9F]  }
0x1a: {  	s8 =	sadd.s32 $0xFFFFE003, lr  }
0x1b: {  	s9 =	sadd.s32 $0xFFFFFEF7, lr;
	s5 =	simm.s32 $0xFFFFFFFF;
	p2 =	slt.u32 s8, $0xFFFFF086  }
0x1c: {  	p1 =	slt.u32 s9, $0xF7A;
	s5 =	simm.s32 @!p2 $0x0  }
0x1d: {  	s5 =	simm.s32 @p1 $0x1;
	p0 =	seq.s32 s7, s2  }
0x1e: {  	s7 =	smul.u32 @!p0 $0xF7A, s2;
	p2 =	seq.s32 @!p0 s5, $0x0  }
0x1f: {  	s9 =	smul.u32 $0xF7A, s1;
	s8 =	simm.s32 @!p0 $0x1BF5;
	p2 =	por !p2, p0  }
0x20: {  	[sflag:s8] =	ssyncset.s32 @!p0 $0xFFFFF086;
	s6 =	sadd.s32 @!p0 s3, s7;
	s7 =	simm.s32 @!p0 $0x108  }
0x21: {  	s3 =	sadd.s32 s3, s9;
	s6 =	sadd.s32 @!p0 $0x88, s6;
	s7 =	simm.s32 @p2 $0x1082  }
0x22: {  	[simem:s7], [sflag:s8] =	dma.local @!p0 [hbm:s6], $0xF7A  }
0x23: {  	s9 =	sor.u32 $0xD0000000, s2;
	s6 =	simm.s32 $0x108;
	_ =	swait.ge @!p0 [sflag:s8], $0x0  }
0x24: {  	s3 =	sadd.s32 $0x88, s3;
	s6 =	simm.s32 @!p1 $0x1082;
	[sflag:s4] =	ssyncset.s32 $0xFFFFF086  }
0x25: {  	[simem:s6], [sflag:s4] =	dma.local [hbm:s3], $0xF7A  }
0x26: {  	[smem:$0x3F9F] =	sst s1;
	(tag) =	ssettag s2;
	_ =	strace s9  }
0x27: {  	s1 =	sld [smem:$0x3FAF]  }
0x28: {  	s2 =	sld [smem:$0x3FB0]  }
0x29: {  	s4 =	sld [smem:$0x3FB2]  }
0x2a: {  	p0 =	seq.s32 s5, $0x0;
	s5 =	sld [smem:$0x3FB3]  }
0x2b: {  	s6 =	sld [smem:$0x3FB4]  }
0x2c: {  	s7 =	sld [smem:$0x3FB5]  }
0x2d: {  	s3 =	simm.s32 $0x108;
	s8 =	sld [smem:$0x3FB6]  }
0x2e: {  	s3 =	simm.s32 @!p0 $0x1082;
	s9 =	sld [smem:$0x3FB7]  }
0x2f: {  	lr =	sadd.s32 s0, s3;
	s0 =	sld [smem:$0x3FAE]  }
0x30: {  	s3 =	sld [smem:$0x3FB1]  }
0x31: {  	[smem:$0x3FBA] =	sst s10  }
0x32: {  	s10 =	sld [smem:$0x3FB8];
	_ =	sdelay $0x3  }
0x33: {  	p0 =	seq.s32 s10, $0x1;
	s10 =	sld [smem:$0x3FBA];
	_ =	sdelay $0x3  }
0x34: {  	[smem:$0x3FBA] =	sst s10  }
0x35: {  	s10 =	sld [smem:$0x3FB9];
	_ =	sdelay $0x3  }
0x36: {  	p1 =	seq.s32 s10, $0x1;
	s10 =	sld [smem:$0x3FBA];
	_ =	sdelay $0x3  }
0x37: {  	[smem:$0x3FBA] =	sst s10  }
0x38: {  	s10 =	sld [smem:$0x3FBB]  }
0x39: {  	_ = 	snop;
	(pc) =	sbr.ind lr, $3  }
0x3a: {  	_ = 	snop  }
0x3b: {  	_ = 	snop  }
0x3c: {  	p2 =	seq.s32 s10, $0x1;
	s10 =	sld [smem:$0x3FBA]  }
0x3d: {  	_ =	shalt  }
0x3e: {  	_ =	shalt  }
0x3f: {  	_ =	shalt  }
0x40: {  	_ =	shalt  }
0x41: {  	_ =	shalt  }
0x42: {  	_ =	shalt  }
0x43: {  	_ =	shalt  }
0x44: {  	_ =	shalt  }
0x45: {  	_ =	shalt  }
0x46: {  	_ =	shalt  }
0x47: {  	_ =	shalt  }
0x48: {  	_ =	shalt  }
0x49: {  	_ =	shalt  }
0x4a: {  	_ =	shalt  }
0x4b: {  	_ =	shalt  }
0x4c: {  	_ =	shalt  }
0x4d: {  	_ =	shalt  }
0x4e: {  	_ =	shalt  }
0x4f: {  	_ =	shalt  }
0x50: {  	_ =	shalt  }
0x51: {  	_ =	shalt  }
0x52: {  	_ =	shalt  }
0x53: {  	_ =	shalt  }
0x54: {  	_ =	shalt  }
0x55: {  	_ =	shalt  }
0x56: {  	_ =	shalt  }
0x57: {  	_ =	shalt  }
0x58: {  	_ =	shalt  }
0x59: {  	_ =	shalt  }
0x5a: {  	_ =	shalt  }
0x5b: {  	_ =	shalt  }
0x5c: {  	_ =	shalt  }
0x5d: {  	_ =	shalt  }
0x5e: {  	_ =	shalt  }
0x5f: {  	_ =	shalt  }
0x60: {  	_ =	shalt  }
0x61: {  	_ =	shalt  }
0x62: {  	_ =	shalt  }
0x63: {  	_ =	shalt  }
0x64: {  	_ =	shalt  }
0x65: {  	_ =	shalt  }
0x66: {  	_ =	shalt  }
0x67: {  	_ =	shalt  }
0x68: {  	_ =	shalt  }
0x69: {  	_ =	shalt  }
0x6a: {  	_ =	shalt  }
0x6b: {  	_ =	shalt  }
0x6c: {  	_ =	shalt  }
0x6d: {  	_ =	shalt  }
0x6e: {  	_ =	shalt  }
0x6f: {  	_ =	shalt  }
0x70: {  	_ =	shalt  }
0x71: {  	_ =	shalt  }
0x72: {  	_ =	shalt  }
0x73: {  	_ =	shalt  }
0x74: {  	_ =	shalt  }
0x75: {  	_ =	shalt  }
0x76: {  	_ =	shalt  }
0x77: {  	_ =	shalt  }
0x78: {  	_ =	shalt  }
0x79: {  	_ =	shalt  }
0x7a: {  	_ =	shalt  }
0x7b: {  	_ =	shalt  }
0x7c: {  	_ =	shalt  }
0x7d: {  	_ =	shalt  }
0x7e: {  	_ =	shalt  }
0x7f: {  	_ =	shalt  }
0x80: {  	_ =	shalt  }
0x81: {  	_ =	shalt  }
0x82: {  	_ =	shalt  }
0x83: {  	_ =	shalt  }
0x84: {  	_ =	shalt  }
0x85: {  	_ =	shalt  }
0x86: {  	_ =	shalt  }
0x87: {  	_ =	shalt  }
.Lfunc_end0:
.L_simem_size_0:
called_computation.1_lowered:
.L_overlay_start_0:
0x88: {  	s2 =	sld [smem:$0x3FD9]  }
0x89: {  	s3 =	sld [smem:$0x3FFE];
	_ =	sdelay $0x1  }
0x8a: {  	s1 =	srdreg.scid  }
0x8b: {  	s0 =	sand.u32 $0x1, s1  }
0x8c: {  	s17 =	sshll.u32 s0, $0xA;
	s2 =	sadd.s32 s3, s2  }
0x8d: {  	s2 =	sadd.s32 s2, s17  }
0x8e: {  	[smem:$0x3FC6] =	sst s2  }
0x8f: {  	_ = 	snop  }
0x90: {  	s2 =	sld [smem:$0x3FD0];
	(tm) =	ssettm $0x1  }
0x91: {  	s18 =	sld [smem:$0x3FFB];
	_ =	sdelay $0x3  }
0x92: {  	_ =	strace s18  }
0x93: {  	s3 =	sld [smem:$0x3FFC];
	_ =	sdelay $0x3  }
0x94: {  	_ =	strace s3  }
0x95: {  	s3 =	sld [smem:$0x3FFD];
	_ =	sdelay $0x3  }
0x96: {  	_ =	strace s3  }
0x97: {  	_ =	strace $0x8FFFFFFF  }
0x98: {  	s19 =	sld [smem:$0x3FDB];
	_ =	sdelay $0x1  }
0x99: {  	s4 =	simm.s32 $_scs_section_size  }
0x9a: {  	s5 =	simm.s32 $_size__tile_overlayer_lowered;
	s6 =	simm.s32 $_tile_overlayer_lowered  }
0x9b: {  	s22 =	simm.s32 $0x1BFF;
	s21 =	sshll.u32 s6, $0x1;
	s3 =	sadd.s32 s4, s19  }
0x9c: {  	s7 =	simm.s32 $0x0;
	s20 =	sshll.u32 s5, $0x1;
	s5 =	sadd.s32 s21, s3  }
0x9d: {  	[timem:s7], [sflag:s22] =	dma.local [hbm:s5], s20  }
0x9e: {  	_ =	swait.ge [sflag:s22], s20  }
0x9f: {  	s4 =	ssub.s32 $0x0, s20;
	[sflag:s22] =	ssyncset.done $0x0  }
0xa0: {  	[sflag:s22] =	ssyncadd.s32 s4;
	_ =	sdelay $0x1  }
0xa1: {  	s23 =	simm.s32 $0x1B8B  }
0xa2: {  	_ =	swait.ge [sflag:s23], $0x1  }
0xa3: {  	[sflag:s23] =	ssyncset.done $0x0  }
0xa4: {  	s25 =	simm.s32 $0x1B8E;
	s24 =	sld [smem:$0x3FFE];
	[sflag:s23] =	ssyncadd.s32 $0xFFFFFFFF  }
0xa5: {  	s26 =	simm.s32 $execute0_lowered;
	[smem:$0x3FD2] =	sst s25  }
0xa6: {  	s5 =	sshll.u32 s26, $0x1;
	_ =	strace $0x80000046;
	[dreg:$0x1] =	wrdreg $0xFFFFFFFF  }
0xa7: {  	s28 =	simm.s32 $_size_execute0_lowered;
	s3 =	sadd.s32 s3, s5;
	[dreg:$0x0] =	wrdreg $0x0  }
0xa8: {  	s5 =	sshll.u32 s28, $0x1;
	[dreg:$0x2] =	wrdreg s3  }
0xa9: {  	[dreg:$0x3] =	wrdreg s5  }
0xaa: {  	[dreg:$0x4] =	wrdreg $0xC0  }
0xab: {  	_ =	task [dreg:s7], $0x5FFFF  }
0xac: {  	[dreg:$0x1] =	wrdreg $0xFFFFFFFF  }
0xad: {  	[dreg:$0x0] =	wrdreg $0x60  }
0xae: {  	[dreg:$0x2] =	wrdreg s2  }
0xaf: {  	[dreg:$0x3] =	wrdreg s24  }
0xb0: {  	[dreg:$0x4] =	wrdreg $0x9  }
0xb1: {  	_ =	task.clear_ibuf [dreg:s7], $0x5FFFF;
	_ =	strace $0x90000046  }
0xb2: {  	s29 =	simm.s32 $0x9;
	_ =	strace $0x80000048  }
0xb3: {  	_ =	swait.ge [sflag:s29], $0x1  }
0xb4: {  	[sflag:s29] =	ssyncadd.s32 $0xFFFFFFFF  }
0xb5: {  	_ =	strace $0x90000048  }
0xb6: {  	_ =	sfence  }
0xb7: {  	s30 =	sld [smem:$0x0];
	_ =	sdelay $0x2  }
0xb8: {  	s31 =	sshll.u32 s1, $0xD;
	s1 =	sshrl.u32 s1, $0x2  }
0xb9: {  	s3 =	sand.u32 $0x4000, s31;
	s1 =	sadd.s32 s1, s30  }
0xba: {  	s0 =	sor.u32 s3, s0;
	s1 =	sshll.u32 s1, $0x11  }
0xbb: {  	s0 =	sor.u32 s1, s0  }
0xbc: {  	s0 =	sadd.s32 $0x8F2B, s0  }
0xbd: {  	[sflag:s0] =	ssyncadd.remote.s32 $0x1  }
0xbe: {  	_ =	sfence.sel $0xFFFF  }
0xbf: {  	[dreg:$0x0] =	wrdreg $0xFFFFFFFF;
	(pc) =	sbr.abs _section_cstart, $3  }
0xc0: {  	[dreg:$0x1] =	wrdreg $0xFFFFFFFF  }
0xc1: {  	_ =	task.clear_ibuf [dreg:s7], $0x2FFFF;
	_ =	strace $0x9FFFFFFF  }
0xc2: {  	(tm) =	ssettm $0x7FFFFFFF  }
0xc3: {  	_ =	shalt  }
tec
execute0_lowered:
.L_overlay_start_1:
0x0: {  	(tag) =	ssettag $0x1  }
0x1: {  	s1 =	srdreg.scid  }
0x2: {  	s0 =	stileid.u32;
	s4 =	rddreg [dreg:$0x0]  }
0x3: {  	s5 =	rddreg [dreg:$0x1];
	s12 =	simm.s32 $0x6400;
	s13 =	simm.s32 $0xA400  }
0x4: {  	s14 =	simm.s32 $0xE400;
	s15 =	simm.s32 $0x1;
	s16 =	simm.s32 $0x12400  }
0x5: {  	s17 =	simm.s32 $0x2;
	s18 =	simm.s32 $0x3;
	s19 =	simm.s32 $0x4  }
0x6: {  	s22 =	simm.s32 $0x7;
	s23 =	simm.s32 $0x8;
	s7 =	smul.u32 $0xC8000, s0  }
0x7: {  	s1 =	sand.u32 $0x1, s1;
	s2 =	sshll.u32 s0, $0x1;
	s10 =	smul.u32 $0x640000, s0  }
0x8: {  	s11 =	sadd.s32 $0xA00, s5;
	s3 =	sor.u32 s1, s2;
	s8 =	smul.u32 $0x64000, s1  }
0x9: {  	s2 =	simm.s32 $0x0;
	s9 =	ssub.s32 $0x2, s1;
	s1 =	smul.u32 $0x320000, s1  }
0xa: {  	s6 =	smul.u32 $0xC80, s3;
	[smem:$0x7FF] =	sst s2;
	s3 =	sadd.s32 $0xF42E00, s5  }
0xb: {  	s24 =	sshrl.u32 s9, $0x1;
	s26 =	sadd.s32 s7, s11;
	_ =	strace $0x80000047  }
0xc: {  	s5 =	ssub.s32 s9, s24;
	s1 =	sadd.s32 s1, s10;
	s24 =	simm.s32 $0x0  }
0xd: {  	s25 =	sadd.s32 s4, s6;
	s28 =	smax.u32 s5, $0x1;
	s6 =	sadd.s32 s8, s26  }
0xe: {  	s29 =	sor.u32 $0xC000, s1;
	s30 =	sor.u32 $0x8000, s1;
	[dreg:$0x3] =	wrdreg s25  }
0xf: {  	s1 =	sshrl.u32 s1, $0x3;
	[dreg:$0x4] =	wrdreg s28;
	s6 =	sadd.s32 $0x800, s6  }
0x10: {  	s31 =	sshrl.u32 s29, $0x3;
	s8 =	sshrl.u32 s30, $0x3;
	s7 =	sadd.s32 s1, s11  }
0x11: {  	s1 =	sadd.s32 s31, s11;
	s9 =	sadd.s32 s8, s11;
	s11 =	simm.s32 $0x80  }
.LBB2_1:
0x12: {  	s0 =	rddreg [dreg:$0x3];
	s25 =	simm.s32 $0x9  }
0x13: {  	[tilespmem:s2], [sflag:$0x9] =	stream.linear.gather [hbm4b:s0+s2], $0x6400, $0x38;
	[tilespmem:$0x16400] =	vst v63  }
0x14: {  	_ =	swait.ge [sflag:s25], $0x6400  }
0x15: {  	[sflag:s25] =	ssyncset.done $0x0  }
0x16: {  	p0 =	por $0x1, $0x1;
	[sflag:s25] =	ssyncadd.s32 $0xFFFF9C00  }
0x17: {  	[tilespmem:s12], [sflag:$0x1] =	stream.indirect.gather [hbm4b:s3+s11], $0x80, s2, s11, $0xb8;
	[tilespmem:$0x16400] =	vst v63  }
0x18: {  	s8 =	simm.s32 @!p0 $0x7  }
0x19: {  	[tilespmem:s13], [sflag:$0x2] =	stream.indirect.gather [hbm4b:s3+s11], $0x80, s11, s11, $0xb8;
	[tilespmem:$0x16400] =	vst v63  }
0x1a: {  	_ =	swait.ge @!p0 [sflag:s8], $0x4000  }
0x1b: {  	[sflag:s8] =	ssyncset.done @!p0 $0x0  }
0x1c: {  	s25 =	simm.s32 $0x100;
	[sflag:s8] =	ssyncadd.s32 @!p0 $0xFFFFC000  }
0x1d: {  	[tilespmem:s14], [sflag:$0x3] =	stream.indirect.gather [hbm4b:s3+s11], $0x80, s25, s11, $0xb8;
	[tilespmem:$0x16400] =	vst v63  }
0x1e: {  	_ =	swait.ge [sflag:s15], $0x4000  }
0x1f: {  	[sflag:s15] =	ssyncset.done $0x0  }
0x20: {  	s8 =	simm.s32 @!p0 $0x8;
	[sflag:s15] =	ssyncadd.s32 $0xFFFFC000  }
0x21: {  	[hbm4b:s7+s2] =	stream.linear.scatter [tilespmem:s12], [sflag:$0x5], $0x4000, $0x38;
	[tilespmem:$0x16400] =	vst v63  }
0x22: {  	_ =	swait.ge @!p0 [sflag:s8], $0x4000  }
0x23: {  	[sflag:s8] =	ssyncset.done @!p0 $0x0  }
0x24: {  	s26 =	simm.s32 $0x180;
	[sflag:s8] =	ssyncadd.s32 @!p0 $0xFFFFC000  }
0x25: {  	[tilespmem:s16], [sflag:$0x4] =	stream.indirect.gather [hbm4b:s3+s11], $0x80, s26, s11, $0xb8;
	[tilespmem:$0x16400] =	vst v63  }
0x26: {  	_ =	swait.ge [sflag:s17], $0x4000  }
0x27: {  	p0 =	por $0x0, $0x0;
	[sflag:s17] =	ssyncset.done $0x0  }
0x28: {  	s8 =	simm.s32 @!p0 $0x5;
	[sflag:s17] =	ssyncadd.s32 $0xFFFFC000  }
0x29: {  	[hbm4b:s6+s2] =	stream.linear.scatter [tilespmem:s13], [sflag:$0x6], $0x4000, $0x38;
	[tilespmem:$0x16400] =	vst v63  }
0x2a: {  	_ =	swait.ge @!p0 [sflag:s8], $0x4000  }
0x2b: {  	s25 =	simm.s32 @!p0 $0x200;
	[sflag:s8] =	ssyncset.done @!p0 $0x0  }
0x2c: {  	s26 =	simm.s32 @!p0 $0x80;
	s28 =	simm.s32 @!p0 $0x6400;
	[sflag:s8] =	ssyncadd.s32 @!p0 $0xFFFFC000  }
0x2d: {  	[tilespmem:s28], [sflag:$0x1] =	stream.indirect.gather @!p0 [hbm4b:s3+s26], $0x80, s25, s26, $0xb8;
	[tilespmem:$0x16400] =	vst v63  }
0x2e: {  	_ =	swait.ge [sflag:s18], $0x4000  }
0x2f: {  	[sflag:s18] =	ssyncset.done $0x0  }
0x30: {  	s8 =	simm.s32 @!p0 $0x6;
	[sflag:s18] =	ssyncadd.s32 $0xFFFFC000  }
0x31: {  	[hbm4b:s9+s2] =	stream.linear.scatter [tilespmem:s14], [sflag:$0x7], $0x4000, $0x38;
	[tilespmem:$0x16400] =	vst v63  }
0x32: {  	s31 =	simm.s32 $0x1000;
	_ =	swait.ge @!p0 [sflag:s8], $0x4000  }
0x33: {  	s30 =	sadd.s32 $0x2000, s7;
	p1 =	por $0x0, $0x0;
	[sflag:s8] =	ssyncset.done @!p0 $0x0  }
0x34: {  	s29 =	simm.s32 @!p0 $0xA400;
	s25 =	simm.s32 @!p0 $0x280;
	[sflag:s8] =	ssyncadd.s32 @!p0 $0xFFFFC000  }
0x35: {  	[tilespmem:s29], [sflag:$0x2] =	stream.indirect.gather @!p0 [hbm4b:s3+s26], $0x80, s25, s26, $0xb8;
	[tilespmem:$0x16400] =	vst v63  }
0x36: {  	s28 =	simm.s32 $0x800;
	s8 =	smov.u32 s1;
	s26 =	sadd.s32 $0x2000, s9  }
0x37: {  	s25 =	sadd.s32 $0x2000, s1;
	s29 =	sadd.s32 $0x2000, s6;
	_ =	swait.ge [sflag:s19], $0x4000  }
.LBB2_2:
0x38: {  	s0 =	simm.s32 @!p1 $0x7  }
0x39: {  	[sflag:s19] =	ssyncset.done $0x0;
	s4 =	smov.u32 s31;
	s31 =	sadd.s32 $0x800, s31  }
0x3a: {  	p0 =	sne.s32 s31, $0x19000;
	[sflag:s19] =	ssyncadd.s32 $0xFFFFC000  }
0x3b: {  	[hbm4b:s8+s2] =	stream.linear.scatter [tilespmem:s16], [sflag:$0x8], $0x4000, $0x38;
	[tilespmem:$0x16400] =	vst v63  }
0x3c: {  	s5 =	sshra.s32 s28, $0x2;
	s8 =	smov.u32 s25;
	_ =	swait.ge @!p1 [sflag:s0], $0x4000  }
0x3d: {  	s10 =	sadd.s32 $0x100, s5;
	[sflag:s0] =	ssyncset.done @!p1 $0x0  }
0x3e: {  	[sflag:s0] =	ssyncadd.s32 @!p1 $0xFFFFC000  }
0x3f: {  	[tilespmem:s14], [sflag:$0x3] =	stream.indirect.gather [hbm4b:s3+s11], $0x80, s10, s11, $0xb8;
	[tilespmem:$0x16400] =	vst v63  }
0x40: {  	_ =	swait.ge [sflag:s15], $0x4000  }
0x41: {  	s0 =	simm.s32 @!p1 $0x8;
	[sflag:s15] =	ssyncset.done $0x0  }
0x42: {  	[sflag:s15] =	ssyncadd.s32 $0xFFFFC000  }
0x43: {  	[hbm4b:s30+s2] =	stream.linear.scatter [tilespmem:s12], [sflag:$0x5], $0x4000, $0x38;
	[tilespmem:$0x16400] =	vst v63  }
0x44: {  	_ =	swait.ge @!p1 [sflag:s0], $0x4000  }
0x45: {  	s5 =	sadd.s32 $0x180, s5;
	[sflag:s0] =	ssyncset.done @!p1 $0x0  }
0x46: {  	[sflag:s0] =	ssyncadd.s32 @!p1 $0xFFFFC000  }
0x47: {  	[tilespmem:s16], [sflag:$0x4] =	stream.indirect.gather [hbm4b:s3+s11], $0x80, s5, s11, $0xb8;
	[tilespmem:$0x16400] =	vst v63  }
0x48: {  	_ =	swait.ge [sflag:s17], $0x4000  }
0x49: {  	p1 =	seq.s32 s28, $0x18800;
	[sflag:s17] =	ssyncset.done $0x0  }
0x4a: {  	s0 =	simm.s32 @!p1 $0x5;
	s5 =	sshra.s32 @!p1 s28, $0x2;
	[sflag:s17] =	ssyncadd.s32 $0xFFFFC000  }
0x4b: {  	[hbm4b:s29+s2] =	stream.linear.scatter [tilespmem:s13], [sflag:$0x6], $0x4000, $0x38;
	[tilespmem:$0x16400] =	vst v63  }
0x4c: {  	s10 =	sadd.s32 @!p1 $0x200, s5;
	s5 =	sadd.s32 @!p1 $0x280, s5;
	_ =	swait.ge @!p1 [sflag:s0], $0x4000  }
0x4d: {  	s20 =	simm.s32 @!p1 $0x80;
	s21 =	simm.s32 @!p1 $0x6400;
	[sflag:s0] =	ssyncset.done @!p1 $0x0  }
0x4e: {  	s28 =	smov.u32 s4;
	[sflag:s0] =	ssyncadd.s32 @!p1 $0xFFFFC000  }
0x4f: {  	[tilespmem:s21], [sflag:$0x1] =	stream.indirect.gather @!p1 [hbm4b:s3+s20], $0x80, s10, s20, $0xb8;
	[tilespmem:$0x16400] =	vst v63  }
0x50: {  	_ =	swait.ge [sflag:s18], $0x4000  }
0x51: {  	[sflag:s18] =	ssyncset.done $0x0  }
0x52: {  	s0 =	simm.s32 @!p1 $0x6;
	[sflag:s18] =	ssyncadd.s32 $0xFFFFC000  }
0x53: {  	[hbm4b:s26+s2] =	stream.linear.scatter [tilespmem:s14], [sflag:$0x7], $0x4000, $0x38;
	[tilespmem:$0x16400] =	vst v63  }
.Ltmp0:
0x54: {  	_ =	swait.ge @!p1 [sflag:s0], $0x4000;
	(pc) =	sbr.rel @p0 .LBB2_2-.Ltmp0, $4  }
0x55: {  	s4 =	simm.s32 @!p1 $0xA400;
	s26 =	sadd.s32 $0x2000, s26;
	[sflag:s0] =	ssyncset.done @!p1 $0x0  }
0x56: {  	s25 =	sadd.s32 $0x2000, s25;
	s30 =	sadd.s32 $0x2000, s30;
	[sflag:s0] =	ssyncadd.s32 @!p1 $0xFFFFC000  }
0x57: {  	[tilespmem:s4], [sflag:$0x2] =	stream.indirect.gather @!p1 [hbm4b:s3+s20], $0x80, s5, s20, $0xb8;
	[tilespmem:$0x16400] =	vst v63  }
0x58: {  	s29 =	sadd.s32 $0x2000, s29;
	p1 =	seq.s32 s28, $0x0;
	_ =	swait.ge [sflag:s19], $0x4000  }
0x59: {  	[sflag:s19] =	ssyncset.done $0x0  }
0x5a: {  	s0 =	simm.s32 @!p1 $0x7;
	[sflag:s19] =	ssyncadd.s32 $0xFFFFC000  }
0x5b: {  	[hbm4b:s8+s2] =	stream.linear.scatter [tilespmem:s16], [sflag:$0x8], $0x4000, $0x38;
	[tilespmem:$0x16400] =	vst v63  }
0x5c: {  	_ =	swait.ge @!p1 [sflag:s0], $0x4000  }
0x5d: {  	s4 =	sshra.s32 s28, $0x2;
	[sflag:s0] =	ssyncset.done @!p1 $0x0  }
0x5e: {  	s5 =	sadd.s32 $0x100, s4;
	[sflag:s0] =	ssyncadd.s32 @!p1 $0xFFFFC000  }
0x5f: {  	[tilespmem:s14], [sflag:$0x3] =	stream.indirect.gather [hbm4b:s3+s11], $0x80, s5, s11, $0xb8;
	[tilespmem:$0x16400] =	vst v63  }
0x60: {  	_ =	swait.ge [sflag:s15], $0x4000  }
0x61: {  	[sflag:s15] =	ssyncset.done $0x0  }
0x62: {  	s0 =	simm.s32 @!p1 $0x8;
	[sflag:s15] =	ssyncadd.s32 $0xFFFFC000  }
0x63: {  	[hbm4b:s30+s2] =	stream.linear.scatter [tilespmem:s12], [sflag:$0x5], $0x4000, $0x38;
	[tilespmem:$0x16400] =	vst v63  }
0x64: {  	_ =	swait.ge @!p1 [sflag:s0], $0x4000  }
0x65: {  	[sflag:s0] =	ssyncset.done @!p1 $0x0  }
0x66: {  	s4 =	sadd.s32 $0x180, s4;
	[sflag:s0] =	ssyncadd.s32 @!p1 $0xFFFFC000  }
0x67: {  	[tilespmem:s16], [sflag:$0x4] =	stream.indirect.gather [hbm4b:s3+s11], $0x80, s4, s11, $0xb8;
	[tilespmem:$0x16400] =	vst v63  }
0x68: {  	_ =	swait.ge [sflag:s17], $0x4000  }
0x69: {  	p0 =	seq.s32 s28, $0x18800;
	[sflag:s17] =	ssyncset.done $0x0  }
0x6a: {  	s0 =	simm.s32 @!p0 $0x5;
	[sflag:s17] =	ssyncadd.s32 $0xFFFFC000  }
0x6b: {  	[hbm4b:s29+s2] =	stream.linear.scatter [tilespmem:s13], [sflag:$0x6], $0x4000, $0x38;
	[tilespmem:$0x16400] =	vst v63  }
0x6c: {  	_ =	swait.ge @!p0 [sflag:s0], $0x4000  }
0x6d: {  	s10 =	simm.s32 @!p0 $0x6400;
	s4 =	sshra.s32 @!p0 s28, $0x2;
	[sflag:s0] =	ssyncset.done @!p0 $0x0  }
0x6e: {  	s8 =	simm.s32 @!p0 $0x80;
	s5 =	sadd.s32 @!p0 $0x200, s4;
	[sflag:s0] =	ssyncadd.s32 @!p0 $0xFFFFC000  }
0x6f: {  	[tilespmem:s10], [sflag:$0x1] =	stream.indirect.gather @!p0 [hbm4b:s3+s8], $0x80, s5, s8, $0xb8;
	[tilespmem:$0x16400] =	vst v63  }
0x70: {  	_ =	swait.ge [sflag:s18], $0x4000  }
0x71: {  	[sflag:s18] =	ssyncset.done $0x0  }
0x72: {  	s0 =	simm.s32 @!p0 $0x6;
	[sflag:s18] =	ssyncadd.s32 $0xFFFFC000  }
0x73: {  	[hbm4b:s26+s2] =	stream.linear.scatter [tilespmem:s14], [sflag:$0x7], $0x4000, $0x38;
	[tilespmem:$0x16400] =	vst v63  }
0x74: {  	_ =	swait.ge @!p0 [sflag:s0], $0x4000  }
0x75: {  	[sflag:s0] =	ssyncset.done @!p0 $0x0  }
0x76: {  	s4 =	sadd.s32 @!p0 $0x280, s4;
	s5 =	simm.s32 @!p0 $0xA400;
	[sflag:s0] =	ssyncadd.s32 @!p0 $0xFFFFC000  }
0x77: {  	[tilespmem:s5], [sflag:$0x2] =	stream.indirect.gather @!p0 [hbm4b:s3+s8], $0x80, s4, s8, $0xb8;
	[tilespmem:$0x16400] =	vst v63  }
0x78: {  	_ =	swait.ge [sflag:s19], $0x4000  }
0x79: {  	[sflag:s19] =	ssyncset.done $0x0  }
0x7a: {  	s29 =	simm.s32 $0x5;
	[sflag:s19] =	ssyncadd.s32 $0xFFFFC000  }
0x7b: {  	[hbm4b:s25+s2] =	stream.linear.scatter [tilespmem:s16], [sflag:$0x8], $0x4000, $0x38;
	[tilespmem:$0x16400] =	vst v63  }
0x7c: {  	_ =	swait.ge [sflag:s29], $0x4000  }
0x7d: {  	[sflag:s29] =	ssyncset.done $0x0  }
0x7e: {  	s30 =	simm.s32 $0x6;
	[sflag:s29] =	ssyncadd.s32 $0xFFFFC000  }
0x7f: {  	_ =	swait.ge [sflag:s30], $0x4000  }
0x80: {  	[sflag:s30] =	ssyncset.done $0x0  }
0x81: {  	[sflag:s30] =	ssyncadd.s32 $0xFFFFC000  }
0x82: {  	_ =	swait.ge [sflag:s22], $0x4000  }
0x83: {  	[sflag:s22] =	ssyncset.done $0x0  }
0x84: {  	[sflag:s22] =	ssyncadd.s32 $0xFFFFC000  }
0x85: {  	_ =	swait.ge [sflag:s23], $0x4000  }
0x86: {  	s24 =	sadd.s32 $0x1, s24;
	s31 =	rddreg [dreg:$0x4]  }
0x87: {  	p0 =	sne.s32 s24, s31  }
.Ltmp1:
0x88: {  	_ = 	snop;
	(pc) =	sbr.rel @p0 .LBB2_1-.Ltmp1, $3  }
0x89: {  	_ =	sdelay $0x1  }
0x8a: {  	[sflag:s23] =	ssyncset.done $0x0  }
0x8b: {  	[sflag:s23] =	ssyncadd.s32 $0xFFFFC000  }
0x8c: {  	_ =	sfence.sel $0x180000  }
0x8d: {  	[bflag:$0x0] =	sbarrier.arrive $0xFFFF  }
0x8e: {  	_ =	strace $0x90000047  }
0x8f: {  	s0 =	stileid.u32;
	[bflag:$0x2] =	sbarrier.arrive $0xFFFF  }
0x90: {  	p0 =	sne.s32 s0, $0x0;
	s0 =	rddreg [dreg:$0x2]  }
0x91: {  	s0 =	sadd.s32 @!p0 $0x100000, s0  }
0x92: {  	[sflag:s0] =	ssyncadd.tile.s32 @!p0 $0x1;
	_ =	shalt  }
.Lfunc_end2:
_tile_overlayer_lowered:
.L_overlay_start_2:
0x93: {  	(tag) =	ssettag $0x2  }
0x94: {  	s0 =	rddreg [dreg:$0x0];
	s2 =	stileid.u32  }
0x95: {  	s1 =	rddreg [dreg:$0x1];
	p0 =	sne.s32 s2, $0x0  }
0x96: {  	s3 =	rddreg [dreg:$0x2];
	[bflag:$0x3] =	sbarrier.arrive $0xFFFF;
	s2 =	simm.s32 @!p0 $0x1C09  }
0x97: {  	[timem:s3], [sflag:s2] =	dma.local @!p0 [hbm:s0], s1  }
0x98: {  	s0 =	simm.s32 @!p0 $0x9  }
0x99: {  	_ =	swait.ge @!p0 [sflag:s0], s1  }
0x9a: {  	s1 =	ssub.s32 @!p0 $0x0, s1;
	[sflag:s0] =	ssyncset.done @!p0 $0x0  }
0x9b: {  	[sflag:s0] =	ssyncadd.s32 @!p0 s1  }
0x9c: {  	[bflag:$0x3] =	sbarrier.arrive $0xFFFF  }
0x9d: {  	_ =	shalt  }

// kernel: sparse-core-data-format-call.cloned.1.call-start
scs
called_computation_lowered:
.L_overlay_start_0:
0x0: {  	s2 =	sld [smem:$0x3FD9]  }
0x1: {  	s3 =	sld [smem:$0x3FFE];
	_ =	sdelay $0x1  }
0x2: {  	s1 =	srdreg.scid  }
0x3: {  	s0 =	sand.u32 $0x1, s1  }
0x4: {  	s18 =	sshll.u32 s0, $0xA;
	s2 =	sadd.s32 s3, s2  }
0x5: {  	s2 =	sadd.s32 s2, s18  }
0x6: {  	[smem:$0x3FC6] =	sst s2  }
0x7: {  	_ = 	snop  }
0x8: {  	s2 =	sld [smem:$0x3FD0];
	(tm) =	ssettm $0x1  }
0x9: {  	s19 =	sld [smem:$0x3FFB];
	_ =	sdelay $0x3  }
0xa: {  	_ =	strace s19  }
0xb: {  	s3 =	sld [smem:$0x3FFC];
	_ =	sdelay $0x3  }
0xc: {  	_ =	strace s3  }
0xd: {  	s3 =	sld [smem:$0x3FFD];
	_ =	sdelay $0x3  }
0xe: {  	_ =	strace s3  }
0xf: {  	_ =	strace $0x8FFFFFFF  }
0x10: {  	s20 =	sld [smem:$0x3FDB];
	_ =	sdelay $0x1  }
0x11: {  	s4 =	simm.s32 $_scs_section_size  }
0x12: {  	s5 =	simm.s32 $_size__tile_overlayer_lowered;
	s6 =	simm.s32 $_tile_overlayer_lowered  }
0x13: {  	s23 =	simm.s32 $0x1BFF;
	s22 =	sshll.u32 s6, $0x1;
	s3 =	sadd.s32 s4, s20  }
0x14: {  	s7 =	simm.s32 $0x0;
	s21 =	sshll.u32 s5, $0x1;
	s5 =	sadd.s32 s22, s3  }
0x15: {  	[timem:s7], [sflag:s23] =	dma.local [hbm:s5], s21  }
0x16: {  	_ =	swait.ge [sflag:s23], s21  }
0x17: {  	s4 =	ssub.s32 $0x0, s21;
	[sflag:s23] =	ssyncset.done $0x0  }
0x18: {  	[sflag:s23] =	ssyncadd.s32 s4;
	_ =	sdelay $0x1  }
0x19: {  	s24 =	simm.s32 $0x1B8B  }
0x1a: {  	_ =	swait.ge [sflag:s24], $0x1  }
0x1b: {  	[sflag:s24] =	ssyncset.done $0x0  }
0x1c: {  	s26 =	simm.s32 $0x1B8E;
	s25 =	sld [smem:$0x3FFE];
	[sflag:s24] =	ssyncadd.s32 $0xFFFFFFFF  }
0x1d: {  	s27 =	simm.s32 $execute0_lowered;
	[smem:$0x3FD2] =	sst s26  }
0x1e: {  	s5 =	sshll.u32 s27, $0x1;
	_ =	strace $0x80000049;
	[dreg:$0x1] =	wrdreg $0xFFFFFFFF  }
0x1f: {  	s28 =	simm.s32 $_size_execute0_lowered;
	s3 =	sadd.s32 s3, s5;
	[dreg:$0x0] =	wrdreg $0x0  }
0x20: {  	s5 =	sshll.u32 s28, $0x1;
	[dreg:$0x2] =	wrdreg s3  }
0x21: {  	[dreg:$0x3] =	wrdreg s5  }
0x22: {  	[dreg:$0x4] =	wrdreg $0xC0  }
0x23: {  	_ =	task [dreg:s7], $0x5FFFF  }
0x24: {  	[dreg:$0x1] =	wrdreg $0xFFFFFFFF  }
0x25: {  	[dreg:$0x0] =	wrdreg $0x60  }
0x26: {  	[dreg:$0x2] =	wrdreg s25  }
0x27: {  	[dreg:$0x3] =	wrdreg s2  }
0x28: {  	[dreg:$0x4] =	wrdreg $0x9  }
0x29: {  	_ =	task.clear_ibuf [dreg:s7], $0x5FFFF;
	_ =	strace $0x90000049  }
0x2a: {  	s29 =	simm.s32 $0x9;
	_ =	strace $0x8000004B  }
0x2b: {  	_ =	swait.ge [sflag:s29], $0x1  }
0x2c: {  	[sflag:s29] =	ssyncadd.s32 $0xFFFFFFFF  }
0x2d: {  	_ =	strace $0x9000004B  }
0x2e: {  	_ =	sfence  }
0x2f: {  	s30 =	sld [smem:$0x0];
	_ =	sdelay $0x2  }
0x30: {  	s31 =	sshll.u32 s1, $0xD;
	s1 =	sshrl.u32 s1, $0x2  }
0x31: {  	s3 =	sand.u32 $0x4000, s31;
	s1 =	sadd.s32 s1, s30  }
0x32: {  	s0 =	sor.u32 s3, s0;
	s1 =	sshll.u32 s1, $0x11  }
0x33: {  	s0 =	sor.u32 s1, s0  }
0x34: {  	s0 =	sadd.s32 $0x8F2B, s0  }
0x35: {  	[sflag:s0] =	ssyncadd.remote.s32 $0x1  }
0x36: {  	_ =	sfence.sel $0xFFFF  }
0x37: {  	[dreg:$0x0] =	wrdreg $0xFFFFFFFF;
	(pc) =	sbr.abs _section_cstart, $3  }
0x38: {  	[dreg:$0x1] =	wrdreg $0xFFFFFFFF  }
0x39: {  	_ =	task.clear_ibuf [dreg:s7], $0x2FFFF;
	_ =	strace $0x9FFFFFFF  }
0x3a: {  	(tm) =	ssettm $0x7FFFFFFF  }
0x3b: {  	_ =	shalt  }
tec
execute0_lowered:
.L_overlay_start_1:
0x0: {  	(tag) =	ssettag $0x1  }
0x1: {  	s0 =	srdreg.scid  }
0x2: {  	s1 =	sshll.u32 s0, $0x4  }
0x3: {  	s0 =	stileid.u32;
	s1 =	sand.u32 $0x10, s1  }
0x4: {  	s7 =	rddreg [dreg:$0x0];
	s1 =	sor.u32 s0, s1  }
0x5: {  	s4 =	simm.s32 $0x1;
	s8 =	simm.s32 $0x2;
	s2 =	sshll.u32 s1, $0x7  }
0x6: {  	s13 =	simm.s32 $0x0;
	s9 =	simm.s32 $0x20000;
	s1 =	ssub.s32 $0x4000, s2  }
0x7: {  	s14 =	simm.s32 $0x0;
	s11 =	simm.s32 $0x0;
	s3 =	sand.u32 $0xF80, s1  }
0x8: {  	s12 =	simm.s32 $0x0;
	s5 =	sshrl.u32 s1, $0xC;
	p0 =	sne.s32 s3, $0x0  }
.Ltmp0:
0x9: {  	s1 =	rddreg [dreg:$0x2];
	s4 =	simm.s32 @!p0 $0x0;
	(pc) =	sbr.rel .LBB1_1-.Ltmp0, $4  }
0xa: {  	s6 =	sadd.s32 $0xA00, s7;
	s3 =	rddreg [dreg:$0x1];
	s5 =	sadd.s32 s4, s5  }
0xb: {  	_ =	strace $0x8000004A;
	s4 =	simm.s32 $0x1;
	s5 =	smul.u32 $0x19, s5  }
0xc: {  	s7 =	sadd.s32 $0x40A00, s7;
	s10 =	smov.u32 s2;
	[sflag:s4] =	ssyncpa.u1 $0x0  }
0xd: {  	p0 =	por $0x0, $0x0;
	[sflag:s8] =	ssyncpa.u1 $0x0;
	s8 =	sadd.s32 $0x1, s5  }
.LBB1_7:
0xe: {  	s15 =	sadd.s32 $0x1000, s10  }
0xf: {  	s13 =	sadd.s32 $0x2, s11;
	s17 =	smov.u32 s11;
	p2 =	sgt.s32 s15, $0x3FFF  }
0x10: {  	s17 =	smov.u32 @p2 s13  }
0x11: {  	s15 =	smov.u32 @p2 s2;
	p2 =	sgt.s32 s17, $0x31  }
0x12: {  	s17 =	simm.s32 @p2 $0x0;
	p2 =	sne.s32 s12, s8  }
.Ltmp1:
0x13: {  	p1 =	slt.u32 s12, $0x2;
	(pc) =	sbr.rel @!p2 .LBB1_8-.Ltmp1, $4  }
0x14: {  	s16 =	simm.s32 @!p1 $0x2  }
0x15: {  	s14 =	smov.u32 s11;
	p0 =	por !p0, !p0;
	_ =	swait.ge @!p1 [sflag:s16], $0x4000  }
0x16: {  	s13 =	smov.u32 s10;
	[sflag:s16] =	ssyncset.done @!p1 $0x0;
	s10 =	smov.u32 s15  }
0x17: {  	s12 =	sadd.s32 $0x1, s12;
	[sflag:s16] =	ssyncadd.s32 @!p1 $0xFFFFC000;
	s11 =	smov.u32 s17  }
.LBB1_1:
0x18: {  	p1 =	sge.u32 s12, s5  }
0x19: {  	s15 =	sxor.u32 @!p1 $0xFFFFFFFF, s12;
	s16 =	sshll.u32 @!p1 s11, $0x12  }
0x1a: {  	s17 =	sshll.u32 @!p1 s10, $0x4;
	s19 =	simm.s32 @!p1 $0x40;
	s20 =	simm.s32 @!p1 $0x80  }
0x1b: {  	s15 =	sshll.u32 @!p1 s15, $0xE;
	s17 =	sand.u32 @!p1 $0x3FFF0, s17;
	s18 =	sadd.s32 @!p1 s6, s16  }
0x1c: {  	s16 =	sadd.s32 @!p1 s16, s7;
	s15 =	sand.u32 @!p1 $0x4000, s15;
	s18 =	sadd.s32 @!p1 s17, s18  }
0x1d: {  	[tilespmem:s15], [sflag:$0x1] =	stream.strided.gather @!p1 [hbm4b:s18+s19], $0x2000, s20, s19, $0x38;
	[tilespmem:$0x10100] =	vst v63  }
0x1e: {  	s31 =	sadd.s32 $0xFFFFFFFF, s12;
	s16 =	sadd.s32 @!p1 s17, s16;
	s15 =	sor.u32 @!p1 $0x2000, s15  }
0x1f: {  	[tilespmem:s15], [sflag:$0x1] =	stream.strided.gather @!p1 [hbm4b:s16+s19], $0x2000, s20, s19, $0x38;
	[tilespmem:$0x10100] =	vst v63  }
0x20: {  	p1 =	sge.u32 s31, s5  }
.Ltmp2:
0x21: {  	_ = 	snop;
	(pc) =	sbr.rel @p1 .LBB1_7-.Ltmp2, $1  }
0x22: {  	_ =	sdelay $0x3  }
0x23: {  	s15 =	simm.s32 $0x1;
	s17 =	sand.u32 $0x1, s12  }
0x24: {  	_ =	swait.ge [sflag:s4], $0x4000;
	s15 =	simm.s32 @!p0 $0x0;
	s17 =	smul.u32 $0x10200, s17  }
0x25: {  	p2 =	por $0x1, $0x1;
	[sflag:s4] =	ssyncset.done $0x0;
	s16 =	smul.u32 $0x10200, s15  }
0x26: {  	s18 =	sshll.u32 s15, $0x10;
	[sflag:s4] =	ssyncadd.s32 $0xFFFFC000;
	s30 =	sshrl.u32 s17, $0x2  }
0x27: {  	s31 =	sshrl.u32 s18, $0x2;
	s18 =	simm.s32 $0x0;
	s16 =	sshrl.u32 s16, $0x2  }
0x28: {  	s15 =	sor.u32 $0x8000, s30;
	s17 =	sadd.s32 $0x20, s31;
	s16 =	sor.u32 $0x8000, s16  }
.LBB1_3:
0x29: {  	s19 =	sshll.u32 s18, $0xD  }
0x2a: {  	s19 =	sand.u32 $0x3FFFE000, s19  }
0x2b: {  	s21 =	sadd.s32 s19, s17  }
0x2c: {  	s31 =	smul.u32 $0x8100, s18;
	v3 =	vld [tilespmem:s21+$0x10]  }
0x2d: {  	v1 =	vld [tilespmem:s21+$0xFFFFFFF0]  }
0x2e: {  	s18 =	sshra.s32 s31, $0x2;
	v0 =	vld [tilespmem:s21+$0x0]  }
0x2f: {  	s18 =	sadd.s32 s18, s16;
	v2 =	vld [tilespmem:s21+$0xFFFFFFE0]  }
0x30: {  	s19 =	sadd.s32 $0x0, s18  }
0x31: {  	p1 =	por p2, p2;
	s20 =	simm.s32 $0x4;
	s21 =	sadd.s32 $0x40, s21;
	[tilespmem:s19+$0x1830 ss:$0x81] =	vst.msk $0xffff, v3  }
.LBB1_4:
0x32: {  	v3 =	vld [tilespmem:s21+$0x10];
	p2 =	sne.s32 s20, $0x1FC;
	[tilespmem:s19+$0x810 ss:$0x81] =	vst.msk $0xffff, v1;
	s22 =	smov.u32 s20;
	s20 =	sadd.s32 $0x4, s20  }
.Ltmp3:
0x33: {  	v1 =	vld [tilespmem:s21+$0xFFFFFFF0];
	[tilespmem:s19+$0x1020 ss:$0x81] =	vst.msk $0xffff, v0;
	(pc) =	sbr.rel @p2 .LBB1_4-.Ltmp3, $4  }
0x34: {  	v0 =	vld [tilespmem:s21+$0x0];
	[tilespmem:s19+$0x0 ss:$0x81] =	vst.msk $0xffff, v2  }
0x35: {  	s19 =	sshra.s32 s22, $0x2;
	v2 =	vld [tilespmem:s21+$0xFFFFFFE0]  }
0x36: {  	s19 =	sadd.s32 s19, s18  }
0x37: {  	s21 =	sadd.s32 $0x40, s21;
	[tilespmem:s19+$0x1830 ss:$0x81] =	vst.msk $0xffff, v3  }
.Ltmp4:
0x38: {  	(pc) =	sbr.rel @p1 .LBB1_3-.Ltmp4, $4  }
0x39: {  	_ = 	snop  }
0x3a: {  	[tilespmem:s19+$0x810 ss:$0x81] =	vst.msk $0xffff, v1  }
0x3b: {  	[tilespmem:s19+$0x1020 ss:$0x81] =	vst.msk $0xffff, v0  }
0x3c: {  	s18 =	simm.s32 $0x1;
	p2 =	por $0x0, $0x0;
	[tilespmem:s19+$0x0 ss:$0x81] =	vst.msk $0xffff, v2  }
0x3d: {  	s16 =	sshll.u32 s13, $0x3;
	s17 =	sand.u32 $0x78, s13;
	s14 =	sshll.u32 s14, $0x11  }
.Ltmp5:
0x3e: {  	s30 =	sand.u32 $0x1F800, s13;
	s16 =	sand.u32 $0x3C00, s16;
	(pc) =	sbr.rel .LBB1_7-.Ltmp5, $4  }
0x3f: {  	s31 =	sand.u32 $0x7, s13;
	s14 =	sadd.s32 s3, s14;
	s16 =	sor.u32 s17, s16  }
0x40: {  	s13 =	sshll.u32 s31, $0x12;
	s14 =	sadd.s32 s30, s14;
	s16 =	sshrl.u32 s16, $0x3  }
0x41: {  	s13 =	sor.u32 $0x400, s13;
	s14 =	sadd.s32 s16, s14  }
0x42: {  	[hbm4b:s14+s13] =	stream.strided.scatter [tilespmem:s15], [sflag:$0x2], $0x4000, s9, s13, $0x20;
	[tilespmem:$0x10100] =	vst v63  }
.LBB1_8:
0x43: {  	_ =	sfence.sel $0x180000  }
0x44: {  	s2 =	simm.s32 $0x1;
	[bflag:$0x0] =	sbarrier.arrive $0xFFFF  }
0x45: {  	s31 =	simm.s32 $0x2;
	[sflag:s2] =	ssyncpa.u1 $0x1  }
0x46: {  	[sflag:s31] =	ssyncpa.u1 $0x1  }
0x47: {  	p0 =	sne.s32 s0, $0x0;
	_ =	strace $0x9000004A  }
0x48: {  	s0 =	sadd.s32 @!p0 $0x100000, s1;
	[bflag:$0x2] =	sbarrier.arrive $0xFFFF  }
0x49: {  	[sflag:s0] =	ssyncadd.tile.s32 @!p0 $0x1;
	_ =	shalt  }
.Lfunc_end1:
_tile_overlayer_lowered:
.L_overlay_start_2:
0x4a: {  	(tag) =	ssettag $0x2  }
0x4b: {  	s0 =	rddreg [dreg:$0x0];
	s2 =	stileid.u32  }
0x4c: {  	s1 =	rddreg [dreg:$0x1];
	p0 =	sne.s32 s2, $0x0  }
0x4d: {  	s3 =	rddreg [dreg:$0x2];
	[bflag:$0x3] =	sbarrier.arrive $0xFFFF;
	s2 =	simm.s32 @!p0 $0x1C01  }
0x4e: {  	[timem:s3], [sflag:s2] =	dma.local @!p0 [hbm:s0], s1  }
0x4f: {  	s0 =	simm.s32 @!p0 $0x1  }
0x50: {  	_ =	swait.ge @!p0 [sflag:s0], s1  }
0x51: {  	s1 =	ssub.s32 @!p0 $0x0, s1;
	[sflag:s0] =	ssyncset.done @!p0 $0x0  }
0x52: {  	[sflag:s0] =	ssyncadd.s32 @!p0 s1  }
0x53: {  	[bflag:$0x3] =	sbarrier.arrive $0xFFFF  }
0x54: {  	_ =	shalt  }

</sc_bundles>
